<compile_context>
chip_gen: v7x
topology: tpu7x:2x2x1
jax: 0.10.2.dev20260603
libtpu: 0.0.44.dev20260713+nightly
codegen_flags: <defaults>
</compile_context>

<pallas_src>
import functools

import jax
import jax.numpy as jnp
from jax import lax
from jax.experimental import pallas as pl
from jax.experimental.pallas import tpu as pltpu
from jax.experimental.pallas import tpu_sc as plsc

_B = 1024
_T = 50
_BB = 16
_BBT = _BB * _T
_GRID = _B // _BB

_D_IMG = 2048
_D_EMB = 64
_D_CAT = 23


_NC = 2
_NS = 16
_NW = _NC * _NS
_HPW = (_B * _T) // _NW
_QPW = _B // _NW
_CK = 80
_NCK = _HPW // _CK


def _sc_gather_body(ht, hi, qt, qi, h_out, q_out,
                    hidx_v, hrows_v, qidx_v, qrows_v, sem):
    c = lax.axis_index("c")
    s = lax.axis_index("s")
    wid = s * _NC + c
    hb = wid * _HPW
    qb = wid * _QPW
    pltpu.sync_copy(hi.at[pl.ds(hb, _HPW)], hidx_v)
    pltpu.sync_copy(qi.at[pl.ds(qb, _QPW)], qidx_v)
    cps = []
    for ck in range(_NCK):
        cps.append(pltpu.async_copy(
            ht.at[hidx_v.at[pl.ds(ck * _CK, _CK)]],
            hrows_v.at[pl.ds(ck * _CK, _CK)], sem))
    cps.append(pltpu.async_copy(qt.at[qidx_v], qrows_v, sem))
    for cp in cps:
        cp.wait()
    pltpu.sync_copy(hrows_v, h_out.at[pl.ds(hb, _HPW)])
    pltpu.sync_copy(qrows_v, q_out.at[pl.ds(qb, _QPW)])


@functools.lru_cache(maxsize=None)
def _sc_gather_fn():
    return functools.partial(
        pl.kernel,
        mesh=plsc.VectorSubcoreMesh(core_axis_name="c", subcore_axis_name="s",
                                    num_cores=_NC, num_subcores=_NS),
        out_type=[
            jax.ShapeDtypeStruct((_B * _T, _D_EMB), jnp.float32),
            jax.ShapeDtypeStruct((_B, _D_EMB), jnp.float32),
        ],
        scratch_types=[
            pltpu.VMEM((_HPW,), jnp.int32),
            pltpu.VMEM((_HPW, _D_EMB), jnp.float32),
            pltpu.VMEM((_QPW,), jnp.int32),
            pltpu.VMEM((_QPW, _D_EMB), jnp.float32),
            pltpu.SemaphoreType.DMA,
        ],
        compiler_params=pltpu.CompilerParams(use_tc_tiling_on_sc=False),
    )(_sc_gather_body)



def _din_block(hif, hemb, hcat, qemb, qimg, qcat, uet, ug, ua, hlen,
               Wqi, bqi, Whi, bhi,
               Wq_e, Wq_i, Wq_c, Wh_e, Wh_i, Wh_c, Wp_e, Wp_i, Wp_c, ba1,
               Wa2, ba2, Wa3, ba3,
               W1u1, W1u2, W1u3, W1qe, W1qi, W1qc, W1pe, W1pi, W1pc, b1,
               W2, b2, W3, out):
    f32 = jnp.float32
    dot = functools.partial(jnp.dot, preferred_element_type=f32)

    q_img = jax.nn.relu(dot(qimg[...], Wqi[...]) + bqi[...])
    q_emb = qemb[...]
    q_cat = qcat[...]

    h_img = jax.nn.relu(dot(hif[...], Whi[...]) + bhi[...])
    h_emb = hemb[...]
    h_cat = hcat[...]

    ri = lax.broadcasted_iota(jnp.int32, (_BBT, _BB), 0)
    ci = lax.broadcasted_iota(jnp.int32, (_BBT, _BB), 1)
    S = (ri // _T == ci).astype(f32)
    rj = lax.broadcasted_iota(jnp.int32, (_BB, _BBT), 1)
    cj = lax.broadcasted_iota(jnp.int32, (_BB, _BBT), 0)
    St = (rj // _T == cj).astype(f32)

    qc = (dot(q_emb, Wq_e[...]) + dot(q_img, Wq_i[...])
          + dot(q_cat, Wq_c[...]) + ba1[...])
    q_emb_b = dot(S, q_emb)
    q_img_b = dot(S, q_img)
    q_cat_b = dot(S, q_cat)

    a1 = jax.nn.relu(
        dot(S, qc)
        + dot(h_emb, Wh_e[...]) + dot(h_img, Wh_i[...]) + dot(h_cat, Wh_c[...])
        + dot(q_emb_b * h_emb, Wp_e[...])
        + dot(q_img_b * h_img, Wp_i[...])
        + dot(q_cat_b * h_cat, Wp_c[...]))
    a2 = jax.nn.relu(dot(a1, Wa2[...]) + ba2[...])
    s = dot(a2, Wa3[...]) + ba3[...]

    tpos = (lax.broadcasted_iota(jnp.int32, (_BBT, 1), 0) % _T).astype(f32)
    len_b = dot(S, hlen[...])
    s = jnp.where(tpos < len_b, s, f32(-1e9))
    e = jnp.exp(s - jnp.max(s))
    denom = dot(St, e)
    inv = 1.0 / denom
    p_e = dot(St, e * h_emb) * inv
    p_i = dot(St, e * h_img) * inv
    p_c = dot(St, e * h_cat) * inv

    o1 = jax.nn.relu(
        dot(uet[...], W1u1[...]) + dot(ug[...], W1u2[...]) + dot(ua[...], W1u3[...])
        + dot(q_emb, W1qe[...]) + dot(q_img, W1qi[...]) + dot(q_cat, W1qc[...])
        + dot(p_e, W1pe[...]) + dot(p_i, W1pi[...]) + dot(p_c, W1pc[...])
        + b1[...])
    o2 = jax.nn.relu(dot(o1, W2[...]) + b2[...])
    out[...] = jax.nn.sigmoid(dot(o2, W3[...]))


def _blk(shape, row_block):
    return pl.BlockSpec((row_block,) + shape[1:], lambda i: (i,) + (0,) * (len(shape) - 1))


def _const(shape):
    return pl.BlockSpec(shape, lambda i: (0,) * len(shape))


_TC_IN_SPECS = [
    _blk((_B * _T, _D_IMG), _BBT),
    _blk((_B * _T, _D_EMB), _BBT),
    _blk((_B * _T, _D_CAT), _BBT),
    _blk((_B, _D_EMB), _BB),
    _blk((_B, _D_IMG), _BB),
    _blk((_B, _D_CAT), _BB),
    _blk((_B, 24), _BB),
    _blk((_B, 2), _BB),
    _blk((_B, 9), _BB),
    _blk((_B, 1), _BB),
    _const((_D_IMG, 64)), _const((1, 64)),
    _const((_D_IMG, 64)), _const((1, 64)),
    _const((64, 80)), _const((64, 80)), _const((23, 80)),
    _const((64, 80)), _const((64, 80)), _const((23, 80)),
    _const((64, 80)), _const((64, 80)), _const((23, 80)),
    _const((1, 80)),
    _const((80, 40)), _const((1, 40)),
    _const((40, 1)), _const((1, 1)),
    _const((24, 200)), _const((2, 200)), _const((9, 200)),
    _const((64, 200)), _const((64, 200)), _const((23, 200)),
    _const((64, 200)), _const((64, 200)), _const((23, 200)),
    _const((1, 200)),
    _const((200, 80)), _const((1, 80)),
    _const((80, 1)),
]

_TC_OUT_SPEC = pl.BlockSpec((_BB, 1), lambda i: (i, 0))


def _fused_tc(*args, interpret=False):
    return pl.pallas_call(
        _din_block,
        grid=(_GRID,),
        in_specs=_TC_IN_SPECS,
        out_specs=_TC_OUT_SPEC,
        out_shape=jax.ShapeDtypeStruct((_B, 1), jnp.float32),
        interpret=interpret,
    )(*args)


def kernel(user_exposed_time, user_gender, user_age, query_article_id,
           query_image_feature, query_categories, history_article_id,
           history_image_feature, history_categories, history_len,
           query_emb_table, hist_emb_table, Wqi, bqi, Whi, bhi,
           Wa1, ba1, Wa2, ba2, Wa3, ba3, W1, b1, W2, b2, W3):
    f32 = jnp.float32
    D = 151

    hidx = history_article_id.reshape(_B * _T).astype(jnp.int32)
    qidx = query_article_id.astype(jnp.int32)
    hemb, qemb = _sc_gather_fn()(hist_emb_table, hidx, query_emb_table, qidx)

    hif2 = history_image_feature.reshape(_B * _T, _D_IMG)
    hcat2 = history_categories.reshape(_B * _T, _D_CAT)
    hlen = history_len.astype(f32).reshape(_B, 1)

    Aq, Ah, Ad, Ap = Wa1[0:D], Wa1[D:2 * D], Wa1[2 * D:3 * D], Wa1[3 * D:4 * D]
    Wq = Aq + Ad
    Wh = Ah - Ad
    Wq_e, Wq_i, Wq_c = Wq[0:64], Wq[64:128], Wq[128:151]
    Wh_e, Wh_i, Wh_c = Wh[0:64], Wh[64:128], Wh[128:151]
    Wp_e, Wp_i, Wp_c = Ap[0:64], Ap[64:128], Ap[128:151]

    W1u1, W1u2, W1u3 = W1[0:24], W1[24:26], W1[26:35]
    W1qe, W1qi, W1qc = W1[35:99], W1[99:163], W1[163:186]
    W1pe, W1pi, W1pc = W1[186:250], W1[250:314], W1[314:337]

    return _fused_tc(
        hif2, hemb, hcat2, qemb, query_image_feature, query_categories,
        user_exposed_time, user_gender, user_age, hlen,
        Wqi, bqi.reshape(1, 64), Whi, bhi.reshape(1, 64),
        Wq_e, Wq_i, Wq_c, Wh_e, Wh_i, Wh_c, Wp_e, Wp_i, Wp_c,
        ba1.reshape(1, 80), Wa2, ba2.reshape(1, 40), Wa3, ba3.reshape(1, 1),
        W1u1, W1u2, W1u3, W1qe, W1qi, W1qc, W1pe, W1pi, W1pc,
        b1.reshape(1, 200), W2, b2.reshape(1, 80), W3)

# --- scband reference (transcript-rebuilt; emitter-appended) ---
"""Pipeline reference for scband-deep-interest-network-35828617183460 (READ-ONLY COPY).

The authoritative reference and input builder live on the scoring server;
editing this copy changes nothing except your own understanding.
"""

import jax, jax.numpy as jnp
import numpy as np

B = 1024
T = 50

def _init(k, shape, scale):
    return jax.random.normal(k, shape, dtype=jnp.float32) * scale

def setup_inputs(seed: int = 0):
    key = jax.random.key(seed)
    ks = jax.random.split(key, 32)
    inp = {}
    inp["user_exposed_time"] = jax.random.uniform(ks[0], (B, 24), dtype=jnp.float32)
    inp["user_gender"] = jax.random.uniform(ks[1], (B, 2), dtype=jnp.float32)
    inp["user_age"] = jax.random.uniform(ks[2], (B, 9), dtype=jnp.float32)
    inp["query_article_id"] = jax.random.randint(ks[3], (B,), 0, 1856)
    inp["query_image_feature"] = jax.random.normal(ks[4], (B, 2048), dtype=jnp.float32)
    inp["query_categories"] = jax.random.uniform(ks[5], (B, 23), dtype=jnp.float32)
    inp["history_article_id"] = jax.random.randint(ks[6], (B, T), 0, 53932)
    inp["history_image_feature"] = jax.random.normal(ks[7], (B, T, 2048), dtype=jnp.float32)
    inp["history_categories"] = jax.random.uniform(ks[8], (B, T, 23), dtype=jnp.float32)
    inp["history_len"] = jax.random.randint(ks[9], (B,), 1, T + 1)
    D = 64 + 64 + 23  # 151
    inp["query_emb_table"] = _init(ks[10], (1856, 64), 0.05)
    inp["hist_emb_table"] = _init(ks[11], (53932, 64), 0.05)
    inp["Wqi"] = _init(ks[12], (2048, 64), 0.02)
    inp["bqi"] = jnp.zeros((64,), dtype=jnp.float32)
    inp["Whi"] = _init(ks[13], (2048, 64), 0.02)
    inp["bhi"] = jnp.zeros((64,), dtype=jnp.float32)
    inp["Wa1"] = _init(ks[14], (4 * D, 80), 0.05)
    inp["ba1"] = jnp.zeros((80,), dtype=jnp.float32)
    inp["Wa2"] = _init(ks[15], (80, 40), 0.05)
    inp["ba2"] = jnp.zeros((40,), dtype=jnp.float32)
    inp["Wa3"] = _init(ks[16], (40, 1), 0.05)
    inp["ba3"] = jnp.zeros((1,), dtype=jnp.float32)
    in_fc = 2 * D + 35  # 337
    inp["W1"] = _init(ks[17], (in_fc, 200), 0.05)
    inp["b1"] = jnp.zeros((200,), dtype=jnp.float32)
    inp["W2"] = _init(ks[18], (200, 80), 0.05)
    inp["b2"] = jnp.zeros((80,), dtype=jnp.float32)
    inp["W3"] = _init(ks[19], (80, 1), 0.05)
    return inp

def _forward(user_exposed_time, user_gender, user_age, query_image_feature,
             query_categories, history_image_feature, history_categories,
             query_emb_table, hist_emb_table, Wqi, bqi, Whi, bhi,
             Wa1, ba1, Wa2, ba2, Wa3, ba3, W1, b1, W2, b2, W3,
             query_article_id, history_article_id, history_len):
    # user features are used raw and concatenated
    user_feature = jnp.concatenate([user_exposed_time, user_gender, user_age], axis=1)
    # query side: embedding lookup + image FC + raw categories
    q_emb = jnp.take(query_emb_table, query_article_id, axis=0)
    q_img = jax.nn.relu(query_image_feature @ Wqi + bqi)
    query = jnp.concatenate([q_emb, q_img, query_categories], axis=1)  # [B, 151]
    # history side: embedding lookup + image FC + raw categories
    h_emb = jnp.take(hist_emb_table, history_article_id, axis=0)  # [B, T, 64]
    h_img = jax.nn.relu(history_image_feature @ Whi + bhi)        # [B, T, 64]
    history = jnp.concatenate([h_emb, h_img, history_categories], axis=2)  # [B, T, 151]
    # DIN attention sequence pooling
    Tlen = history.shape[1]
    q_tiled = jnp.broadcast_to(query[:, None, :], history.shape)
    att_in = jnp.concatenate([q_tiled, history, q_tiled - history, q_tiled * history], axis=-1)
    a = jax.nn.relu(att_in @ Wa1 + ba1)
    a = jax.nn.relu(a @ Wa2 + ba2)
    scores = (a @ Wa3 + ba3)[..., 0]  # [B, T]
    mask = jnp.arange(Tlen)[None, :] < history_len[:, None]
    scores = jnp.where(mask, scores, -1e9)
    attw = jax.nn.softmax(scores, axis=-1)
    pooled = jnp.einsum('bt,btd->bd', attw, history)  # [B, 151]
    # final MLP with sigmoid
    concat = jnp.concatenate([user_feature, query, pooled], axis=1)  # [B, 337]
    h = jax.nn.relu(concat @ W1 + b1)
    h = jax.nn.relu(h @ W2 + b2)
    out = jax.nn.sigmoid(h @ W3)
    return out

def reference(user_exposed_time, user_gender, user_age, query_article_id,
              query_image_feature, query_categories, history_article_id,
              history_image_feature, history_categories, history_len,
              query_emb_table, hist_emb_table, Wqi, bqi, Whi, bhi,
              Wa1, ba1, Wa2, ba2, Wa3, ba3, W1, b1, W2, b2, W3):
    return _forward(
        user_exposed_time, user_gender, user_age,
        query_image_feature, query_categories,
        history_image_feature, history_categories,
        query_emb_table, hist_emb_table, Wqi, bqi,
        Whi, bhi, Wa1, ba1, Wa2, ba2,
        Wa3, ba3, W1, b1, W2, b2, W3,
        query_article_id, history_article_id, history_len)

if __name__ == "__main__":
    import jax
    _d = setup_inputs()
    print(jax.jit(kernel)(*tuple(_d.values())))

</pallas_src>

<mosaic_0001>
#map = affine_map<(d0, d1) -> (0, 0)>
#map1 = affine_map<(d0, d1) -> (0)>
module attributes {stable_mosaic.version = 14 : i64} {
  func.func @_sc_gather_body(%arg0: i32, %arg1: i32, %arg2: memref<53932x64xf32, #tpu.memory_space<hbm>>, %arg3: memref<51200xi32, #tpu.memory_space<hbm>>, %arg4: memref<1856x64xf32, #tpu.memory_space<hbm>>, %arg5: memref<1024xi32, #tpu.memory_space<hbm>>, %arg6: memref<51200x64xf32, #tpu.memory_space<hbm>>, %arg7: memref<1024x64xf32, #tpu.memory_space<hbm>>, %arg8: memref<1600xi32, #tpu.memory_space<vmem>>, %arg9: memref<1600x64xf32, #tpu.memory_space<vmem>>, %arg10: memref<32xi32, #tpu.memory_space<vmem>>, %arg11: memref<32x64xf32, #tpu.memory_space<vmem>>, %arg12: memref<!tpu.dma_semaphore, #tpu.memory_space<semaphore_mem>>) attributes {dimension_semantics = [#tpu.dimension_semantics<core_parallel>, #tpu.dimension_semantics<subcore_parallel>], iteration_bounds = array<i64: 2, 16>, scalar_prefetch = 0 : i64, scratch_operands = 5 : i64, tpu.core_type = #tpu.core_type<sc_vector_subcore>, window_params = [{transform_indices = #map}, {transform_indices = #map1}, {transform_indices = #map}, {transform_indices = #map1}, {transform_indices = #map}, {transform_indices = #map}]} {
    %mul3A = arith.constant 2 : i32
    %mul3A_0 = arith.muli %arg1, %mul3A : i32
    %add3A = arith.addi %mul3A_0, %arg0 : i32
    %mul3A_1 = arith.constant 1600 : i32
    %mul3A_2 = arith.muli %add3A, %mul3A_1 : i32
    %mul3A_3 = arith.constant 32 : i32
    %mul3A_4 = arith.muli %add3A, %mul3A_3 : i32
    "tpu.region"() ({
      %run_scoped3A = tpu.sem_alloc : memref<!tpu.dma_semaphore, #tpu.memory_space<semaphore_mem>>
      %dma_start3A_329 = tpu.memref_slice %arg3[%mul3A_2] : memref<51200xi32, #tpu.memory_space<hbm>> -> memref<1600xi32, #tpu.memory_space<hbm>>
      %dma_start3A_330 = tpu.memref_slice %arg3[%mul3A_2] : memref<51200xi32, #tpu.memory_space<hbm>> -> memref<1600xi32, #tpu.memory_space<hbm>>
      tpu.enqueue_dma source(%dma_start3A_330 : memref<1600xi32, #tpu.memory_space<hbm>>) target(%arg8 : memref<1600xi32, #tpu.memory_space<vmem>>) target_semaphore(%run_scoped3A : memref<!tpu.dma_semaphore, #tpu.memory_space<semaphore_mem>>)
      %dma_wait3A_331 = tpu.memref_slice %arg3[%mul3A_2] : memref<51200xi32, #tpu.memory_space<hbm>> -> memref<1600xi32, #tpu.memory_space<hbm>>
      %dma_wait3A_332 = tpu.memref_slice %arg3[%mul3A_2] : memref<51200xi32, #tpu.memory_space<hbm>> -> memref<1600xi32, #tpu.memory_space<hbm>>
      tpu.wait_dma2 semaphore(%run_scoped3A : memref<!tpu.dma_semaphore, #tpu.memory_space<semaphore_mem>>) src(%dma_wait3A_332 : memref<1600xi32, #tpu.memory_space<hbm>>) dst(%arg8 : memref<1600xi32, #tpu.memory_space<vmem>>)
      tpu.yield
    }) : () -> ()
    "tpu.region"() ({
      %run_scoped3A = tpu.sem_alloc : memref<!tpu.dma_semaphore, #tpu.memory_space<semaphore_mem>>
      %dma_start3A_329 = tpu.memref_slice %arg5[%mul3A_4] : memref<1024xi32, #tpu.memory_space<hbm>> -> memref<32xi32, #tpu.memory_space<hbm>>
      %dma_start3A_330 = tpu.memref_slice %arg5[%mul3A_4] : memref<1024xi32, #tpu.memory_space<hbm>> -> memref<32xi32, #tpu.memory_space<hbm>>
      tpu.enqueue_dma source(%dma_start3A_330 : memref<32xi32, #tpu.memory_space<hbm>>) target(%arg10 : memref<32xi32, #tpu.memory_space<vmem>>) target_semaphore(%run_scoped3A : memref<!tpu.dma_semaphore, #tpu.memory_space<semaphore_mem>>)
      %dma_wait3A_331 = tpu.memref_slice %arg5[%mul3A_4] : memref<1024xi32, #tpu.memory_space<hbm>> -> memref<32xi32, #tpu.memory_space<hbm>>
      %dma_wait3A_332 = tpu.memref_slice %arg5[%mul3A_4] : memref<1024xi32, #tpu.memory_space<hbm>> -> memref<32xi32, #tpu.memory_space<hbm>>
      tpu.wait_dma2 semaphore(%run_scoped3A : memref<!tpu.dma_semaphore, #tpu.memory_space<semaphore_mem>>) src(%dma_wait3A_332 : memref<32xi32, #tpu.memory_space<hbm>>) dst(%arg10 : memref<32xi32, #tpu.memory_space<vmem>>)
      tpu.yield
    }) : () -> ()
    %dma_start3A = arith.constant 0 : i32
    %dma_start3A_5 = arith.constant 0 : i32
    %dma_start3A_6 = tpu.memref_slice %arg9[%dma_start3A, %dma_start3A_5] : memref<1600x64xf32, #tpu.memory_space<vmem>> -> memref<80x64xf32, #tpu.memory_space<vmem>>
    %dma_start3A_7 = arith.constant 0 : i32
    %dma_start3A_8 = tpu.memref_slice %arg8[%dma_start3A_7] : memref<1600xi32, #tpu.memory_space<vmem>> -> memref<80xi32, #tpu.memory_space<vmem>>
    %dma_start3A_9 = arith.constant 0 : i32
    %dma_start3A_10 = arith.constant 0 : i32
    %dma_start3A_11 = tpu.memref_slice %arg2[%dma_start3A_9, %dma_start3A_10] : memref<53932x64xf32, #tpu.memory_space<hbm>> -> memref<53932x64xf32, #tpu.memory_space<hbm>>
    tpu.enqueue_indirect_dma source(%dma_start3A_11 : memref<53932x64xf32, #tpu.memory_space<hbm>>) target(%dma_start3A_6 : memref<80x64xf32, #tpu.memory_space<vmem>>) offsets(%dma_start3A_8 : memref<80xi32, #tpu.memory_space<vmem>>) semaphore(%arg12 : memref<!tpu.dma_semaphore, #tpu.memory_space<semaphore_mem>>)
    %dma_start3A_12 = arith.constant 80 : i32
    %dma_start3A_13 = arith.constant 0 : i32
    %dma_start3A_14 = tpu.memref_slice %arg9[%dma_start3A_12, %dma_start3A_13] : memref<1600x64xf32, #tpu.memory_space<vmem>> -> memref<80x64xf32, #tpu.memory_space<vmem>>
    %dma_start3A_15 = arith.constant 80 : i32
    %dma_start3A_16 = tpu.memref_slice %arg8[%dma_start3A_15] : memref<1600xi32, #tpu.memory_space<vmem>> -> memref<80xi32, #tpu.memory_space<vmem>>
    %dma_start3A_17 = arith.constant 0 : i32
    %dma_start3A_18 = arith.constant 0 : i32
    %dma_start3A_19 = tpu.memref_slice %arg2[%dma_start3A_17, %dma_start3A_18] : memref<53932x64xf32, #tpu.memory_space<hbm>> -> memref<53932x64xf32, #tpu.memory_space<hbm>>
    tpu.enqueue_indirect_dma source(%dma_start3A_19 : memref<53932x64xf32, #tpu.memory_space<hbm>>) target(%dma_start3A_14 : memref<80x64xf32, #tpu.memory_space<vmem>>) offsets(%dma_start3A_16 : memref<80xi32, #tpu.memory_space<vmem>>) semaphore(%arg12 : memref<!tpu.dma_semaphore, #tpu.memory_space<semaphore_mem>>)
    %dma_start3A_20 = arith.constant 160 : i32
    %dma_start3A_21 = arith.constant 0 : i32
    %dma_start3A_22 = tpu.memref_slice %arg9[%dma_start3A_20, %dma_start3A_21] : memref<1600x64xf32, #tpu.memory_space<vmem>> -> memref<80x64xf32, #tpu.memory_space<vmem>>
    %dma_start3A_23 = arith.constant 160 : i32
    %dma_start3A_24 = tpu.memref_slice %arg8[%dma_start3A_23] : memref<1600xi32, #tpu.memory_space<vmem>> -> memref<80xi32, #tpu.memory_space<vmem>>
    %dma_start3A_25 = arith.constant 0 : i32
    %dma_start3A_26 = arith.constant 0 : i32
    %dma_start3A_27 = tpu.memref_slice %arg2[%dma_start3A_25, %dma_start3A_26] : memref<53932x64xf32, #tpu.memory_space<hbm>> -> memref<53932x64xf32, #tpu.memory_space<hbm>>
    tpu.enqueue_indirect_dma source(%dma_start3A_27 : memref<53932x64xf32, #tpu.memory_space<hbm>>) target(%dma_start3A_22 : memref<80x64xf32, #tpu.memory_space<vmem>>) offsets(%dma_start3A_24 : memref<80xi32, #tpu.memory_space<vmem>>) semaphore(%arg12 : memref<!tpu.dma_semaphore, #tpu.memory_space<semaphore_mem>>)
    %dma_start3A_28 = arith.constant 240 : i32
    %dma_start3A_29 = arith.constant 0 : i32
    %dma_start3A_30 = tpu.memref_slice %arg9[%dma_start3A_28, %dma_start3A_29] : memref<1600x64xf32, #tpu.memory_space<vmem>> -> memref<80x64xf32, #tpu.memory_space<vmem>>
    %dma_start3A_31 = arith.constant 240 : i32
    %dma_start3A_32 = tpu.memref_slice %arg8[%dma_start3A_31] : memref<1600xi32, #tpu.memory_space<vmem>> -> memref<80xi32, #tpu.memory_space<vmem>>
    %dma_start3A_33 = arith.constant 0 : i32
    %dma_start3A_34 = arith.constant 0 : i32
    %dma_start3A_35 = tpu.memref_slice %arg2[%dma_start3A_33, %dma_start3A_34] : memref<53932x64xf32, #tpu.memory_space<hbm>> -> memref<53932x64xf32, #tpu.memory_space<hbm>>
    tpu.enqueue_indirect_dma source(%dma_start3A_35 : memref<53932x64xf32, #tpu.memory_space<hbm>>) target(%dma_start3A_30 : memref<80x64xf32, #tpu.memory_space<vmem>>) offsets(%dma_start3A_32 : memref<80xi32, #tpu.memory_space<vmem>>) semaphore(%arg12 : memref<!tpu.dma_semaphore, #tpu.memory_space<semaphore_mem>>)
    %dma_start3A_36 = arith.constant 320 : i32
    %dma_start3A_37 = arith.constant 0 : i32
    %dma_start3A_38 = tpu.memref_slice %arg9[%dma_start3A_36, %dma_start3A_37] : memref<1600x64xf32, #tpu.memory_space<vmem>> -> memref<80x64xf32, #tpu.memory_space<vmem>>
    %dma_start3A_39 = arith.constant 320 : i32
    %dma_start3A_40 = tpu.memref_slice %arg8[%dma_start3A_39] : memref<1600xi32, #tpu.memory_space<vmem>> -> memref<80xi32, #tpu.memory_space<vmem>>
    %dma_start3A_41 = arith.constant 0 : i32
    %dma_start3A_42 = arith.constant 0 : i32
    %dma_start3A_43 = tpu.memref_slice %arg2[%dma_start3A_41, %dma_start3A_42] : memref<53932x64xf32, #tpu.memory_space<hbm>> -> memref<53932x64xf32, #tpu.memory_space<hbm>>
    tpu.enqueue_indirect_dma source(%dma_start3A_43 : memref<53932x64xf32, #tpu.memory_space<hbm>>) target(%dma_start3A_38 : memref<80x64xf32, #tpu.memory_space<vmem>>) offsets(%dma_start3A_40 : memref<80xi32, #tpu.memory_space<vmem>>) semaphore(%arg12 : memref<!tpu.dma_semaphore, #tpu.memory_space<semaphore_mem>>)
    %dma_start3A_44 = arith.constant 400 : i32
    %dma_start3A_45 = arith.constant 0 : i32
    %dma_start3A_46 = tpu.memref_slice %arg9[%dma_start3A_44, %dma_start3A_45] : memref<1600x64xf32, #tpu.memory_space<vmem>> -> memref<80x64xf32, #tpu.memory_space<vmem>>
    %dma_start3A_47 = arith.constant 400 : i32
    %dma_start3A_48 = tpu.memref_slice %arg8[%dma_start3A_47] : memref<1600xi32, #tpu.memory_space<vmem>> -> memref<80xi32, #tpu.memory_space<vmem>>
    %dma_start3A_49 = arith.constant 0 : i32
    %dma_start3A_50 = arith.constant 0 : i32
    %dma_start3A_51 = tpu.memref_slice %arg2[%dma_start3A_49, %dma_start3A_50] : memref<53932x64xf32, #tpu.memory_space<hbm>> -> memref<53932x64xf32, #tpu.memory_space<hbm>>
    tpu.enqueue_indirect_dma source(%dma_start3A_51 : memref<53932x64xf32, #tpu.memory_space<hbm>>) target(%dma_start3A_46 : memref<80x64xf32, #tpu.memory_space<vmem>>) offsets(%dma_start3A_48 : memref<80xi32, #tpu.memory_space<vmem>>) semaphore(%arg12 : memref<!tpu.dma_semaphore, #tpu.memory_space<semaphore_mem>>)
    %dma_start3A_52 = arith.constant 480 : i32
    %dma_start3A_53 = arith.constant 0 : i32
    %dma_start3A_54 = tpu.memref_slice %arg9[%dma_start3A_52, %dma_start3A_53] : memref<1600x64xf32, #tpu.memory_space<vmem>> -> memref<80x64xf32, #tpu.memory_space<vmem>>
    %dma_start3A_55 = arith.constant 480 : i32
    %dma_start3A_56 = tpu.memref_slice %arg8[%dma_start3A_55] : memref<1600xi32, #tpu.memory_space<vmem>> -> memref<80xi32, #tpu.memory_space<vmem>>
    %dma_start3A_57 = arith.constant 0 : i32
    %dma_start3A_58 = arith.constant 0 : i32
    %dma_start3A_59 = tpu.memref_slice %arg2[%dma_start3A_57, %dma_start3A_58] : memref<53932x64xf32, #tpu.memory_space<hbm>> -> memref<53932x64xf32, #tpu.memory_space<hbm>>
    tpu.enqueue_indirect_dma source(%dma_start3A_59 : memref<53932x64xf32, #tpu.memory_space<hbm>>) target(%dma_start3A_54 : memref<80x64xf32, #tpu.memory_space<vmem>>) offsets(%dma_start3A_56 : memref<80xi32, #tpu.memory_space<vmem>>) semaphore(%arg12 : memref<!tpu.dma_semaphore, #tpu.memory_space<semaphore_mem>>)
    %dma_start3A_60 = arith.constant 560 : i32
    %dma_start3A_61 = arith.constant 0 : i32
    %dma_start3A_62 = tpu.memref_slice %arg9[%dma_start3A_60, %dma_start3A_61] : memref<1600x64xf32, #tpu.memory_space<vmem>> -> memref<80x64xf32, #tpu.memory_space<vmem>>
    %dma_start3A_63 = arith.constant 560 : i32
    %dma_start3A_64 = tpu.memref_slice %arg8[%dma_start3A_63] : memref<1600xi32, #tpu.memory_space<vmem>> -> memref<80xi32, #tpu.memory_space<vmem>>
    %dma_start3A_65 = arith.constant 0 : i32
    %dma_start3A_66 = arith.constant 0 : i32
    %dma_start3A_67 = tpu.memref_slice %arg2[%dma_start3A_65, %dma_start3A_66] : memref<53932x64xf32, #tpu.memory_space<hbm>> -> memref<53932x64xf32, #tpu.memory_space<hbm>>
    tpu.enqueue_indirect_dma source(%dma_start3A_67 : memref<53932x64xf32, #tpu.memory_space<hbm>>) target(%dma_start3A_62 : memref<80x64xf32, #tpu.memory_space<vmem>>) offsets(%dma_start3A_64 : memref<80xi32, #tpu.memory_space<vmem>>) semaphore(%arg12 : memref<!tpu.dma_semaphore, #tpu.memory_space<semaphore_mem>>)
    %dma_start3A_68 = arith.constant 640 : i32
    %dma_start3A_69 = arith.constant 0 : i32
    %dma_start3A_70 = tpu.memref_slice %arg9[%dma_start3A_68, %dma_start3A_69] : memref<1600x64xf32, #tpu.memory_space<vmem>> -> memref<80x64xf32, #tpu.memory_space<vmem>>
    %dma_start3A_71 = arith.constant 640 : i32
    %dma_start3A_72 = tpu.memref_slice %arg8[%dma_start3A_71] : memref<1600xi32, #tpu.memory_space<vmem>> -> memref<80xi32, #tpu.memory_space<vmem>>
    %dma_start3A_73 = arith.constant 0 : i32
    %dma_start3A_74 = arith.constant 0 : i32
    %dma_start3A_75 = tpu.memref_slice %arg2[%dma_start3A_73, %dma_start3A_74] : memref<53932x64xf32, #tpu.memory_space<hbm>> -> memref<53932x64xf32, #tpu.memory_space<hbm>>
    tpu.enqueue_indirect_dma source(%dma_start3A_75 : memref<53932x64xf32, #tpu.memory_space<hbm>>) target(%dma_start3A_70 : memref<80x64xf32, #tpu.memory_space<vmem>>) offsets(%dma_start3A_72 : memref<80xi32, #tpu.memory_space<vmem>>) semaphore(%arg12 : memref<!tpu.dma_semaphore, #tpu.memory_space<semaphore_mem>>)
    %dma_start3A_76 = arith.constant 720 : i32
    %dma_start3A_77 = arith.constant 0 : i32
    %dma_start3A_78 = tpu.memref_slice %arg9[%dma_start3A_76, %dma_start3A_77] : memref<1600x64xf32, #tpu.memory_space<vmem>> -> memref<80x64xf32, #tpu.memory_space<vmem>>
    %dma_start3A_79 = arith.constant 720 : i32
    %dma_start3A_80 = tpu.memref_slice %arg8[%dma_start3A_79] : memref<1600xi32, #tpu.memory_space<vmem>> -> memref<80xi32, #tpu.memory_space<vmem>>
    %dma_start3A_81 = arith.constant 0 : i32
    %dma_start3A_82 = arith.constant 0 : i32
    %dma_start3A_83 = tpu.memref_slice %arg2[%dma_start3A_81, %dma_start3A_82] : memref<53932x64xf32, #tpu.memory_space<hbm>> -> memref<53932x64xf32, #tpu.memory_space<hbm>>
    tpu.enqueue_indirect_dma source(%dma_start3A_83 : memref<53932x64xf32, #tpu.memory_space<hbm>>) target(%dma_start3A_78 : memref<80x64xf32, #tpu.memory_space<vmem>>) offsets(%dma_start3A_80 : memref<80xi32, #tpu.memory_space<vmem>>) semaphore(%arg12 : memref<!tpu.dma_semaphore, #tpu.memory_space<semaphore_mem>>)
    %dma_start3A_84 = arith.constant 800 : i32
    %dma_start3A_85 = arith.constant 0 : i32
    %dma_start3A_86 = tpu.memref_slice %arg9[%dma_start3A_84, %dma_start3A_85] : memref<1600x64xf32, #tpu.memory_space<vmem>> -> memref<80x64xf32, #tpu.memory_space<vmem>>
    %dma_start3A_87 = arith.constant 800 : i32
    %dma_start3A_88 = tpu.memref_slice %arg8[%dma_start3A_87] : memref<1600xi32, #tpu.memory_space<vmem>> -> memref<80xi32, #tpu.memory_space<vmem>>
    %dma_start3A_89 = arith.constant 0 : i32
    %dma_start3A_90 = arith.constant 0 : i32
    %dma_start3A_91 = tpu.memref_slice %arg2[%dma_start3A_89, %dma_start3A_90] : memref<53932x64xf32, #tpu.memory_space<hbm>> -> memref<53932x64xf32, #tpu.memory_space<hbm>>
    tpu.enqueue_indirect_dma source(%dma_start3A_91 : memref<53932x64xf32, #tpu.memory_space<hbm>>) target(%dma_start3A_86 : memref<80x64xf32, #tpu.memory_space<vmem>>) offsets(%dma_start3A_88 : memref<80xi32, #tpu.memory_space<vmem>>) semaphore(%arg12 : memref<!tpu.dma_semaphore, #tpu.memory_space<semaphore_mem>>)
    %dma_start3A_92 = arith.constant 880 : i32
    %dma_start3A_93 = arith.constant 0 : i32
    %dma_start3A_94 = tpu.memref_slice %arg9[%dma_start3A_92, %dma_start3A_93] : memref<1600x64xf32, #tpu.memory_space<vmem>> -> memref<80x64xf32, #tpu.memory_space<vmem>>
    %dma_start3A_95 = arith.constant 880 : i32
    %dma_start3A_96 = tpu.memref_slice %arg8[%dma_start3A_95] : memref<1600xi32, #tpu.memory_space<vmem>> -> memref<80xi32, #tpu.memory_space<vmem>>
    %dma_start3A_97 = arith.constant 0 : i32
    %dma_start3A_98 = arith.constant 0 : i32
    %dma_start3A_99 = tpu.memref_slice %arg2[%dma_start3A_97, %dma_start3A_98] : memref<53932x64xf32, #tpu.memory_space<hbm>> -> memref<53932x64xf32, #tpu.memory_space<hbm>>
    tpu.enqueue_indirect_dma source(%dma_start3A_99 : memref<53932x64xf32, #tpu.memory_space<hbm>>) target(%dma_start3A_94 : memref<80x64xf32, #tpu.memory_space<vmem>>) offsets(%dma_start3A_96 : memref<80xi32, #tpu.memory_space<vmem>>) semaphore(%arg12 : memref<!tpu.dma_semaphore, #tpu.memory_space<semaphore_mem>>)
    %dma_start3A_100 = arith.constant 960 : i32
    %dma_start3A_101 = arith.constant 0 : i32
    %dma_start3A_102 = tpu.memref_slice %arg9[%dma_start3A_100, %dma_start3A_101] : memref<1600x64xf32, #tpu.memory_space<vmem>> -> memref<80x64xf32, #tpu.memory_space<vmem>>
    %dma_start3A_103 = arith.constant 960 : i32
    %dma_start3A_104 = tpu.memref_slice %arg8[%dma_start3A_103] : memref<1600xi32, #tpu.memory_space<vmem>> -> memref<80xi32, #tpu.memory_space<vmem>>
    %dma_start3A_105 = arith.constant 0 : i32
    %dma_start3A_106 = arith.constant 0 : i32
    %dma_start3A_107 = tpu.memref_slice %arg2[%dma_start3A_105, %dma_start3A_106] : memref<53932x64xf32, #tpu.memory_space<hbm>> -> memref<53932x64xf32, #tpu.memory_space<hbm>>
    tpu.enqueue_indirect_dma source(%dma_start3A_107 : memref<53932x64xf32, #tpu.memory_space<hbm>>) target(%dma_start3A_102 : memref<80x64xf32, #tpu.memory_space<vmem>>) offsets(%dma_start3A_104 : memref<80xi32, #tpu.memory_space<vmem>>) semaphore(%arg12 : memref<!tpu.dma_semaphore, #tpu.memory_space<semaphore_mem>>)
    %dma_start3A_108 = arith.constant 1040 : i32
    %dma_start3A_109 = arith.constant 0 : i32
    %dma_start3A_110 = tpu.memref_slice %arg9[%dma_start3A_108, %dma_start3A_109] : memref<1600x64xf32, #tpu.memory_space<vmem>> -> memref<80x64xf32, #tpu.memory_space<vmem>>
    %dma_start3A_111 = arith.constant 1040 : i32
    %dma_start3A_112 = tpu.memref_slice %arg8[%dma_start3A_111] : memref<1600xi32, #tpu.memory_space<vmem>> -> memref<80xi32, #tpu.memory_space<vmem>>
    %dma_start3A_113 = arith.constant 0 : i32
    %dma_start3A_114 = arith.constant 0 : i32
    %dma_start3A_115 = tpu.memref_slice %arg2[%dma_start3A_113, %dma_start3A_114] : memref<53932x64xf32, #tpu.memory_space<hbm>> -> memref<53932x64xf32, #tpu.memory_space<hbm>>
    tpu.enqueue_indirect_dma source(%dma_start3A_115 : memref<53932x64xf32, #tpu.memory_space<hbm>>) target(%dma_start3A_110 : memref<80x64xf32, #tpu.memory_space<vmem>>) offsets(%dma_start3A_112 : memref<80xi32, #tpu.memory_space<vmem>>) semaphore(%arg12 : memref<!tpu.dma_semaphore, #tpu.memory_space<semaphore_mem>>)
    %dma_start3A_116 = arith.constant 1120 : i32
    %dma_start3A_117 = arith.constant 0 : i32
    %dma_start3A_118 = tpu.memref_slice %arg9[%dma_start3A_116, %dma_start3A_117] : memref<1600x64xf32, #tpu.memory_space<vmem>> -> memref<80x64xf32, #tpu.memory_space<vmem>>
    %dma_start3A_119 = arith.constant 1120 : i32
    %dma_start3A_120 = tpu.memref_slice %arg8[%dma_start3A_119] : memref<1600xi32, #tpu.memory_space<vmem>> -> memref<80xi32, #tpu.memory_space<vmem>>
    %dma_start3A_121 = arith.constant 0 : i32
    %dma_start3A_122 = arith.constant 0 : i32
    %dma_start3A_123 = tpu.memref_slice %arg2[%dma_start3A_121, %dma_start3A_122] : memref<53932x64xf32, #tpu.memory_space<hbm>> -> memref<53932x64xf32, #tpu.memory_space<hbm>>
    tpu.enqueue_indirect_dma source(%dma_start3A_123 : memref<53932x64xf32, #tpu.memory_space<hbm>>) target(%dma_start3A_118 : memref<80x64xf32, #tpu.memory_space<vmem>>) offsets(%dma_start3A_120 : memref<80xi32, #tpu.memory_space<vmem>>) semaphore(%arg12 : memref<!tpu.dma_semaphore, #tpu.memory_space<semaphore_mem>>)
    %dma_start3A_124 = arith.constant 1200 : i32
    %dma_start3A_125 = arith.constant 0 : i32
    %dma_start3A_126 = tpu.memref_slice %arg9[%dma_start3A_124, %dma_start3A_125] : memref<1600x64xf32, #tpu.memory_space<vmem>> -> memref<80x64xf32, #tpu.memory_space<vmem>>
    %dma_start3A_127 = arith.constant 1200 : i32
    %dma_start3A_128 = tpu.memref_slice %arg8[%dma_start3A_127] : memref<1600xi32, #tpu.memory_space<vmem>> -> memref<80xi32, #tpu.memory_space<vmem>>
    %dma_start3A_129 = arith.constant 0 : i32
    %dma_start3A_130 = arith.constant 0 : i32
    %dma_start3A_131 = tpu.memref_slice %arg2[%dma_start3A_129, %dma_start3A_130] : memref<53932x64xf32, #tpu.memory_space<hbm>> -> memref<53932x64xf32, #tpu.memory_space<hbm>>
    tpu.enqueue_indirect_dma source(%dma_start3A_131 : memref<53932x64xf32, #tpu.memory_space<hbm>>) target(%dma_start3A_126 : memref<80x64xf32, #tpu.memory_space<vmem>>) offsets(%dma_start3A_128 : memref<80xi32, #tpu.memory_space<vmem>>) semaphore(%arg12 : memref<!tpu.dma_semaphore, #tpu.memory_space<semaphore_mem>>)
    %dma_start3A_132 = arith.constant 1280 : i32
    %dma_start3A_133 = arith.constant 0 : i32
    %dma_start3A_134 = tpu.memref_slice %arg9[%dma_start3A_132, %dma_start3A_133] : memref<1600x64xf32, #tpu.memory_space<vmem>> -> memref<80x64xf32, #tpu.memory_space<vmem>>
    %dma_start3A_135 = arith.constant 1280 : i32
    %dma_start3A_136 = tpu.memref_slice %arg8[%dma_start3A_135] : memref<1600xi32, #tpu.memory_space<vmem>> -> memref<80xi32, #tpu.memory_space<vmem>>
    %dma_start3A_137 = arith.constant 0 : i32
    %dma_start3A_138 = arith.constant 0 : i32
    %dma_start3A_139 = tpu.memref_slice %arg2[%dma_start3A_137, %dma_start3A_138] : memref<53932x64xf32, #tpu.memory_space<hbm>> -> memref<53932x64xf32, #tpu.memory_space<hbm>>
    tpu.enqueue_indirect_dma source(%dma_start3A_139 : memref<53932x64xf32, #tpu.memory_space<hbm>>) target(%dma_start3A_134 : memref<80x64xf32, #tpu.memory_space<vmem>>) offsets(%dma_start3A_136 : memref<80xi32, #tpu.memory_space<vmem>>) semaphore(%arg12 : memref<!tpu.dma_semaphore, #tpu.memory_space<semaphore_mem>>)
    %dma_start3A_140 = arith.constant 1360 : i32
    %dma_start3A_141 = arith.constant 0 : i32
    %dma_start3A_142 = tpu.memref_slice %arg9[%dma_start3A_140, %dma_start3A_141] : memref<1600x64xf32, #tpu.memory_space<vmem>> -> memref<80x64xf32, #tpu.memory_space<vmem>>
    %dma_start3A_143 = arith.constant 1360 : i32
    %dma_start3A_144 = tpu.memref_slice %arg8[%dma_start3A_143] : memref<1600xi32, #tpu.memory_space<vmem>> -> memref<80xi32, #tpu.memory_space<vmem>>
    %dma_start3A_145 = arith.constant 0 : i32
    %dma_start3A_146 = arith.constant 0 : i32
    %dma_start3A_147 = tpu.memref_slice %arg2[%dma_start3A_145, %dma_start3A_146] : memref<53932x64xf32, #tpu.memory_space<hbm>> -> memref<53932x64xf32, #tpu.memory_space<hbm>>
    tpu.enqueue_indirect_dma source(%dma_start3A_147 : memref<53932x64xf32, #tpu.memory_space<hbm>>) target(%dma_start3A_142 : memref<80x64xf32, #tpu.memory_space<vmem>>) offsets(%dma_start3A_144 : memref<80xi32, #tpu.memory_space<vmem>>) semaphore(%arg12 : memref<!tpu.dma_semaphore, #tpu.memory_space<semaphore_mem>>)
    %dma_start3A_148 = arith.constant 1440 : i32
    %dma_start3A_149 = arith.constant 0 : i32
    %dma_start3A_150 = tpu.memref_slice %arg9[%dma_start3A_148, %dma_start3A_149] : memref<1600x64xf32, #tpu.memory_space<vmem>> -> memref<80x64xf32, #tpu.memory_space<vmem>>
    %dma_start3A_151 = arith.constant 1440 : i32
    %dma_start3A_152 = tpu.memref_slice %arg8[%dma_start3A_151] : memref<1600xi32, #tpu.memory_space<vmem>> -> memref<80xi32, #tpu.memory_space<vmem>>
    %dma_start3A_153 = arith.constant 0 : i32
    %dma_start3A_154 = arith.constant 0 : i32
    %dma_start3A_155 = tpu.memref_slice %arg2[%dma_start3A_153, %dma_start3A_154] : memref<53932x64xf32, #tpu.memory_space<hbm>> -> memref<53932x64xf32, #tpu.memory_space<hbm>>
    tpu.enqueue_indirect_dma source(%dma_start3A_155 : memref<53932x64xf32, #tpu.memory_space<hbm>>) target(%dma_start3A_150 : memref<80x64xf32, #tpu.memory_space<vmem>>) offsets(%dma_start3A_152 : memref<80xi32, #tpu.memory_space<vmem>>) semaphore(%arg12 : memref<!tpu.dma_semaphore, #tpu.memory_space<semaphore_mem>>)
    %dma_start3A_156 = arith.constant 1520 : i32
    %dma_start3A_157 = arith.constant 0 : i32
    %dma_start3A_158 = tpu.memref_slice %arg9[%dma_start3A_156, %dma_start3A_157] : memref<1600x64xf32, #tpu.memory_space<vmem>> -> memref<80x64xf32, #tpu.memory_space<vmem>>
    %dma_start3A_159 = arith.constant 1520 : i32
    %dma_start3A_160 = tpu.memref_slice %arg8[%dma_start3A_159] : memref<1600xi32, #tpu.memory_space<vmem>> -> memref<80xi32, #tpu.memory_space<vmem>>
    %dma_start3A_161 = arith.constant 0 : i32
    %dma_start3A_162 = arith.constant 0 : i32
    %dma_start3A_163 = tpu.memref_slice %arg2[%dma_start3A_161, %dma_start3A_162] : memref<53932x64xf32, #tpu.memory_space<hbm>> -> memref<53932x64xf32, #tpu.memory_space<hbm>>
    tpu.enqueue_indirect_dma source(%dma_start3A_163 : memref<53932x64xf32, #tpu.memory_space<hbm>>) target(%dma_start3A_158 : memref<80x64xf32, #tpu.memory_space<vmem>>) offsets(%dma_start3A_160 : memref<80xi32, #tpu.memory_space<vmem>>) semaphore(%arg12 : memref<!tpu.dma_semaphore, #tpu.memory_space<semaphore_mem>>)
    %dma_start3A_164 = arith.constant 0 : i32
    %dma_start3A_165 = arith.constant 0 : i32
    %dma_start3A_166 = tpu.memref_slice %arg4[%dma_start3A_164, %dma_start3A_165] : memref<1856x64xf32, #tpu.memory_space<hbm>> -> memref<1856x64xf32, #tpu.memory_space<hbm>>
    tpu.enqueue_indirect_dma source(%dma_start3A_166 : memref<1856x64xf32, #tpu.memory_space<hbm>>) target(%arg11 : memref<32x64xf32, #tpu.memory_space<vmem>>) offsets(%arg10 : memref<32xi32, #tpu.memory_space<vmem>>) semaphore(%arg12 : memref<!tpu.dma_semaphore, #tpu.memory_space<semaphore_mem>>)
    %dma_wait3A = arith.constant 0 : i32
    %dma_wait3A_167 = arith.constant 0 : i32
    %dma_wait3A_168 = tpu.memref_slice %arg9[%dma_wait3A, %dma_wait3A_167] : memref<1600x64xf32, #tpu.memory_space<vmem>> -> memref<80x64xf32, #tpu.memory_space<vmem>>
    %dma_wait3A_169 = arith.constant 0 : i32
    %dma_wait3A_170 = tpu.memref_slice %arg8[%dma_wait3A_169] : memref<1600xi32, #tpu.memory_space<vmem>> -> memref<80xi32, #tpu.memory_space<vmem>>
    %dma_wait3A_171 = arith.constant 0 : i32
    %dma_wait3A_172 = arith.constant 0 : i32
    %dma_wait3A_173 = tpu.memref_slice %arg2[%dma_wait3A_171, %dma_wait3A_172] : memref<53932x64xf32, #tpu.memory_space<hbm>> -> memref<53932x64xf32, #tpu.memory_space<hbm>>
    tpu.wait_indirect_dma semaphore(%arg12 : memref<!tpu.dma_semaphore, #tpu.memory_space<semaphore_mem>>) src(%dma_wait3A_173 : memref<53932x64xf32, #tpu.memory_space<hbm>>) dst(%dma_wait3A_168 : memref<80x64xf32, #tpu.memory_space<vmem>>)
    %dma_wait3A_174 = arith.constant 80 : i32
    %dma_wait3A_175 = arith.constant 0 : i32
    %dma_wait3A_176 = tpu.memref_slice %arg9[%dma_wait3A_174, %dma_wait3A_175] : memref<1600x64xf32, #tpu.memory_space<vmem>> -> memref<80x64xf32, #tpu.memory_space<vmem>>
    %dma_wait3A_177 = arith.constant 80 : i32
    %dma_wait3A_178 = tpu.memref_slice %arg8[%dma_wait3A_177] : memref<1600xi32, #tpu.memory_space<vmem>> -> memref<80xi32, #tpu.memory_space<vmem>>
    %dma_wait3A_179 = arith.constant 0 : i32
    %dma_wait3A_180 = arith.constant 0 : i32
    %dma_wait3A_181 = tpu.memref_slice %arg2[%dma_wait3A_179, %dma_wait3A_180] : memref<53932x64xf32, #tpu.memory_space<hbm>> -> memref<53932x64xf32, #tpu.memory_space<hbm>>
    tpu.wait_indirect_dma semaphore(%arg12 : memref<!tpu.dma_semaphore, #tpu.memory_space<semaphore_mem>>) src(%dma_wait3A_181 : memref<53932x64xf32, #tpu.memory_space<hbm>>) dst(%dma_wait3A_176 : memref<80x64xf32, #tpu.memory_space<vmem>>)
    %dma_wait3A_182 = arith.constant 160 : i32
    %dma_wait3A_183 = arith.constant 0 : i32
    %dma_wait3A_184 = tpu.memref_slice %arg9[%dma_wait3A_182, %dma_wait3A_183] : memref<1600x64xf32, #tpu.memory_space<vmem>> -> memref<80x64xf32, #tpu.memory_space<vmem>>
    %dma_wait3A_185 = arith.constant 160 : i32
    %dma_wait3A_186 = tpu.memref_slice %arg8[%dma_wait3A_185] : memref<1600xi32, #tpu.memory_space<vmem>> -> memref<80xi32, #tpu.memory_space<vmem>>
    %dma_wait3A_187 = arith.constant 0 : i32
    %dma_wait3A_188 = arith.constant 0 : i32
    %dma_wait3A_189 = tpu.memref_slice %arg2[%dma_wait3A_187, %dma_wait3A_188] : memref<53932x64xf32, #tpu.memory_space<hbm>> -> memref<53932x64xf32, #tpu.memory_space<hbm>>
    tpu.wait_indirect_dma semaphore(%arg12 : memref<!tpu.dma_semaphore, #tpu.memory_space<semaphore_mem>>) src(%dma_wait3A_189 : memref<53932x64xf32, #tpu.memory_space<hbm>>) dst(%dma_wait3A_184 : memref<80x64xf32, #tpu.memory_space<vmem>>)
    %dma_wait3A_190 = arith.constant 240 : i32
    %dma_wait3A_191 = arith.constant 0 : i32
    %dma_wait3A_192 = tpu.memref_slice %arg9[%dma_wait3A_190, %dma_wait3A_191] : memref<1600x64xf32, #tpu.memory_space<vmem>> -> memref<80x64xf32, #tpu.memory_space<vmem>>
    %dma_wait3A_193 = arith.constant 240 : i32
    %dma_wait3A_194 = tpu.memref_slice %arg8[%dma_wait3A_193] : memref<1600xi32, #tpu.memory_space<vmem>> -> memref<80xi32, #tpu.memory_space<vmem>>
    %dma_wait3A_195 = arith.constant 0 : i32
    %dma_wait3A_196 = arith.constant 0 : i32
    %dma_wait3A_197 = tpu.memref_slice %arg2[%dma_wait3A_195, %dma_wait3A_196] : memref<53932x64xf32, #tpu.memory_space<hbm>> -> memref<53932x64xf32, #tpu.memory_space<hbm>>
    tpu.wait_indirect_dma semaphore(%arg12 : memref<!tpu.dma_semaphore, #tpu.memory_space<semaphore_mem>>) src(%dma_wait3A_197 : memref<53932x64xf32, #tpu.memory_space<hbm>>) dst(%dma_wait3A_192 : memref<80x64xf32, #tpu.memory_space<vmem>>)
    %dma_wait3A_198 = arith.constant 320 : i32
    %dma_wait3A_199 = arith.constant 0 : i32
    %dma_wait3A_200 = tpu.memref_slice %arg9[%dma_wait3A_198, %dma_wait3A_199] : memref<1600x64xf32, #tpu.memory_space<vmem>> -> memref<80x64xf32, #tpu.memory_space<vmem>>
    %dma_wait3A_201 = arith.constant 320 : i32
    %dma_wait3A_202 = tpu.memref_slice %arg8[%dma_wait3A_201] : memref<1600xi32, #tpu.memory_space<vmem>> -> memref<80xi32, #tpu.memory_space<vmem>>
    %dma_wait3A_203 = arith.constant 0 : i32
    %dma_wait3A_204 = arith.constant 0 : i32
    %dma_wait3A_205 = tpu.memref_slice %arg2[%dma_wait3A_203, %dma_wait3A_204] : memref<53932x64xf32, #tpu.memory_space<hbm>> -> memref<53932x64xf32, #tpu.memory_space<hbm>>
    tpu.wait_indirect_dma semaphore(%arg12 : memref<!tpu.dma_semaphore, #tpu.memory_space<semaphore_mem>>) src(%dma_wait3A_205 : memref<53932x64xf32, #tpu.memory_space<hbm>>) dst(%dma_wait3A_200 : memref<80x64xf32, #tpu.memory_space<vmem>>)
    %dma_wait3A_206 = arith.constant 400 : i32
    %dma_wait3A_207 = arith.constant 0 : i32
    %dma_wait3A_208 = tpu.memref_slice %arg9[%dma_wait3A_206, %dma_wait3A_207] : memref<1600x64xf32, #tpu.memory_space<vmem>> -> memref<80x64xf32, #tpu.memory_space<vmem>>
    %dma_wait3A_209 = arith.constant 400 : i32
    %dma_wait3A_210 = tpu.memref_slice %arg8[%dma_wait3A_209] : memref<1600xi32, #tpu.memory_space<vmem>> -> memref<80xi32, #tpu.memory_space<vmem>>
    %dma_wait3A_211 = arith.constant 0 : i32
    %dma_wait3A_212 = arith.constant 0 : i32
    %dma_wait3A_213 = tpu.memref_slice %arg2[%dma_wait3A_211, %dma_wait3A_212] : memref<53932x64xf32, #tpu.memory_space<hbm>> -> memref<53932x64xf32, #tpu.memory_space<hbm>>
    tpu.wait_indirect_dma semaphore(%arg12 : memref<!tpu.dma_semaphore, #tpu.memory_space<semaphore_mem>>) src(%dma_wait3A_213 : memref<53932x64xf32, #tpu.memory_space<hbm>>) dst(%dma_wait3A_208 : memref<80x64xf32, #tpu.memory_space<vmem>>)
    %dma_wait3A_214 = arith.constant 480 : i32
    %dma_wait3A_215 = arith.constant 0 : i32
    %dma_wait3A_216 = tpu.memref_slice %arg9[%dma_wait3A_214, %dma_wait3A_215] : memref<1600x64xf32, #tpu.memory_space<vmem>> -> memref<80x64xf32, #tpu.memory_space<vmem>>
    %dma_wait3A_217 = arith.constant 480 : i32
    %dma_wait3A_218 = tpu.memref_slice %arg8[%dma_wait3A_217] : memref<1600xi32, #tpu.memory_space<vmem>> -> memref<80xi32, #tpu.memory_space<vmem>>
    %dma_wait3A_219 = arith.constant 0 : i32
    %dma_wait3A_220 = arith.constant 0 : i32
    %dma_wait3A_221 = tpu.memref_slice %arg2[%dma_wait3A_219, %dma_wait3A_220] : memref<53932x64xf32, #tpu.memory_space<hbm>> -> memref<53932x64xf32, #tpu.memory_space<hbm>>
    tpu.wait_indirect_dma semaphore(%arg12 : memref<!tpu.dma_semaphore, #tpu.memory_space<semaphore_mem>>) src(%dma_wait3A_221 : memref<53932x64xf32, #tpu.memory_space<hbm>>) dst(%dma_wait3A_216 : memref<80x64xf32, #tpu.memory_space<vmem>>)
    %dma_wait3A_222 = arith.constant 560 : i32
    %dma_wait3A_223 = arith.constant 0 : i32
    %dma_wait3A_224 = tpu.memref_slice %arg9[%dma_wait3A_222, %dma_wait3A_223] : memref<1600x64xf32, #tpu.memory_space<vmem>> -> memref<80x64xf32, #tpu.memory_space<vmem>>
    %dma_wait3A_225 = arith.constant 560 : i32
    %dma_wait3A_226 = tpu.memref_slice %arg8[%dma_wait3A_225] : memref<1600xi32, #tpu.memory_space<vmem>> -> memref<80xi32, #tpu.memory_space<vmem>>
    %dma_wait3A_227 = arith.constant 0 : i32
    %dma_wait3A_228 = arith.constant 0 : i32
    %dma_wait3A_229 = tpu.memref_slice %arg2[%dma_wait3A_227, %dma_wait3A_228] : memref<53932x64xf32, #tpu.memory_space<hbm>> -> memref<53932x64xf32, #tpu.memory_space<hbm>>
    tpu.wait_indirect_dma semaphore(%arg12 : memref<!tpu.dma_semaphore, #tpu.memory_space<semaphore_mem>>) src(%dma_wait3A_229 : memref<53932x64xf32, #tpu.memory_space<hbm>>) dst(%dma_wait3A_224 : memref<80x64xf32, #tpu.memory_space<vmem>>)
    %dma_wait3A_230 = arith.constant 640 : i32
    %dma_wait3A_231 = arith.constant 0 : i32
    %dma_wait3A_232 = tpu.memref_slice %arg9[%dma_wait3A_230, %dma_wait3A_231] : memref<1600x64xf32, #tpu.memory_space<vmem>> -> memref<80x64xf32, #tpu.memory_space<vmem>>
    %dma_wait3A_233 = arith.constant 640 : i32
    %dma_wait3A_234 = tpu.memref_slice %arg8[%dma_wait3A_233] : memref<1600xi32, #tpu.memory_space<vmem>> -> memref<80xi32, #tpu.memory_space<vmem>>
    %dma_wait3A_235 = arith.constant 0 : i32
    %dma_wait3A_236 = arith.constant 0 : i32
    %dma_wait3A_237 = tpu.memref_slice %arg2[%dma_wait3A_235, %dma_wait3A_236] : memref<53932x64xf32, #tpu.memory_space<hbm>> -> memref<53932x64xf32, #tpu.memory_space<hbm>>
    tpu.wait_indirect_dma semaphore(%arg12 : memref<!tpu.dma_semaphore, #tpu.memory_space<semaphore_mem>>) src(%dma_wait3A_237 : memref<53932x64xf32, #tpu.memory_space<hbm>>) dst(%dma_wait3A_232 : memref<80x64xf32, #tpu.memory_space<vmem>>)
    %dma_wait3A_238 = arith.constant 720 : i32
    %dma_wait3A_239 = arith.constant 0 : i32
    %dma_wait3A_240 = tpu.memref_slice %arg9[%dma_wait3A_238, %dma_wait3A_239] : memref<1600x64xf32, #tpu.memory_space<vmem>> -> memref<80x64xf32, #tpu.memory_space<vmem>>
    %dma_wait3A_241 = arith.constant 720 : i32
    %dma_wait3A_242 = tpu.memref_slice %arg8[%dma_wait3A_241] : memref<1600xi32, #tpu.memory_space<vmem>> -> memref<80xi32, #tpu.memory_space<vmem>>
    %dma_wait3A_243 = arith.constant 0 : i32
    %dma_wait3A_244 = arith.constant 0 : i32
    %dma_wait3A_245 = tpu.memref_slice %arg2[%dma_wait3A_243, %dma_wait3A_244] : memref<53932x64xf32, #tpu.memory_space<hbm>> -> memref<53932x64xf32, #tpu.memory_space<hbm>>
    tpu.wait_indirect_dma semaphore(%arg12 : memref<!tpu.dma_semaphore, #tpu.memory_space<semaphore_mem>>) src(%dma_wait3A_245 : memref<53932x64xf32, #tpu.memory_space<hbm>>) dst(%dma_wait3A_240 : memref<80x64xf32, #tpu.memory_space<vmem>>)
    %dma_wait3A_246 = arith.constant 800 : i32
    %dma_wait3A_247 = arith.constant 0 : i32
    %dma_wait3A_248 = tpu.memref_slice %arg9[%dma_wait3A_246, %dma_wait3A_247] : memref<1600x64xf32, #tpu.memory_space<vmem>> -> memref<80x64xf32, #tpu.memory_space<vmem>>
    %dma_wait3A_249 = arith.constant 800 : i32
    %dma_wait3A_250 = tpu.memref_slice %arg8[%dma_wait3A_249] : memref<1600xi32, #tpu.memory_space<vmem>> -> memref<80xi32, #tpu.memory_space<vmem>>
    %dma_wait3A_251 = arith.constant 0 : i32
    %dma_wait3A_252 = arith.constant 0 : i32
    %dma_wait3A_253 = tpu.memref_slice %arg2[%dma_wait3A_251, %dma_wait3A_252] : memref<53932x64xf32, #tpu.memory_space<hbm>> -> memref<53932x64xf32, #tpu.memory_space<hbm>>
    tpu.wait_indirect_dma semaphore(%arg12 : memref<!tpu.dma_semaphore, #tpu.memory_space<semaphore_mem>>) src(%dma_wait3A_253 : memref<53932x64xf32, #tpu.memory_space<hbm>>) dst(%dma_wait3A_248 : memref<80x64xf32, #tpu.memory_space<vmem>>)
    %dma_wait3A_254 = arith.constant 880 : i32
    %dma_wait3A_255 = arith.constant 0 : i32
    %dma_wait3A_256 = tpu.memref_slice %arg9[%dma_wait3A_254, %dma_wait3A_255] : memref<1600x64xf32, #tpu.memory_space<vmem>> -> memref<80x64xf32, #tpu.memory_space<vmem>>
    %dma_wait3A_257 = arith.constant 880 : i32
    %dma_wait3A_258 = tpu.memref_slice %arg8[%dma_wait3A_257] : memref<1600xi32, #tpu.memory_space<vmem>> -> memref<80xi32, #tpu.memory_space<vmem>>
    %dma_wait3A_259 = arith.constant 0 : i32
    %dma_wait3A_260 = arith.constant 0 : i32
    %dma_wait3A_261 = tpu.memref_slice %arg2[%dma_wait3A_259, %dma_wait3A_260] : memref<53932x64xf32, #tpu.memory_space<hbm>> -> memref<53932x64xf32, #tpu.memory_space<hbm>>
    tpu.wait_indirect_dma semaphore(%arg12 : memref<!tpu.dma_semaphore, #tpu.memory_space<semaphore_mem>>) src(%dma_wait3A_261 : memref<53932x64xf32, #tpu.memory_space<hbm>>) dst(%dma_wait3A_256 : memref<80x64xf32, #tpu.memory_space<vmem>>)
    %dma_wait3A_262 = arith.constant 960 : i32
    %dma_wait3A_263 = arith.constant 0 : i32
    %dma_wait3A_264 = tpu.memref_slice %arg9[%dma_wait3A_262, %dma_wait3A_263] : memref<1600x64xf32, #tpu.memory_space<vmem>> -> memref<80x64xf32, #tpu.memory_space<vmem>>
    %dma_wait3A_265 = arith.constant 960 : i32
    %dma_wait3A_266 = tpu.memref_slice %arg8[%dma_wait3A_265] : memref<1600xi32, #tpu.memory_space<vmem>> -> memref<80xi32, #tpu.memory_space<vmem>>
    %dma_wait3A_267 = arith.constant 0 : i32
    %dma_wait3A_268 = arith.constant 0 : i32
    %dma_wait3A_269 = tpu.memref_slice %arg2[%dma_wait3A_267, %dma_wait3A_268] : memref<53932x64xf32, #tpu.memory_space<hbm>> -> memref<53932x64xf32, #tpu.memory_space<hbm>>
    tpu.wait_indirect_dma semaphore(%arg12 : memref<!tpu.dma_semaphore, #tpu.memory_space<semaphore_mem>>) src(%dma_wait3A_269 : memref<53932x64xf32, #tpu.memory_space<hbm>>) dst(%dma_wait3A_264 : memref<80x64xf32, #tpu.memory_space<vmem>>)
    %dma_wait3A_270 = arith.constant 1040 : i32
    %dma_wait3A_271 = arith.constant 0 : i32
    %dma_wait3A_272 = tpu.memref_slice %arg9[%dma_wait3A_270, %dma_wait3A_271] : memref<1600x64xf32, #tpu.memory_space<vmem>> -> memref<80x64xf32, #tpu.memory_space<vmem>>
    %dma_wait3A_273 = arith.constant 1040 : i32
    %dma_wait3A_274 = tpu.memref_slice %arg8[%dma_wait3A_273] : memref<1600xi32, #tpu.memory_space<vmem>> -> memref<80xi32, #tpu.memory_space<vmem>>
    %dma_wait3A_275 = arith.constant 0 : i32
    %dma_wait3A_276 = arith.constant 0 : i32
    %dma_wait3A_277 = tpu.memref_slice %arg2[%dma_wait3A_275, %dma_wait3A_276] : memref<53932x64xf32, #tpu.memory_space<hbm>> -> memref<53932x64xf32, #tpu.memory_space<hbm>>
    tpu.wait_indirect_dma semaphore(%arg12 : memref<!tpu.dma_semaphore, #tpu.memory_space<semaphore_mem>>) src(%dma_wait3A_277 : memref<53932x64xf32, #tpu.memory_space<hbm>>) dst(%dma_wait3A_272 : memref<80x64xf32, #tpu.memory_space<vmem>>)
    %dma_wait3A_278 = arith.constant 1120 : i32
    %dma_wait3A_279 = arith.constant 0 : i32
    %dma_wait3A_280 = tpu.memref_slice %arg9[%dma_wait3A_278, %dma_wait3A_279] : memref<1600x64xf32, #tpu.memory_space<vmem>> -> memref<80x64xf32, #tpu.memory_space<vmem>>
    %dma_wait3A_281 = arith.constant 1120 : i32
    %dma_wait3A_282 = tpu.memref_slice %arg8[%dma_wait3A_281] : memref<1600xi32, #tpu.memory_space<vmem>> -> memref<80xi32, #tpu.memory_space<vmem>>
    %dma_wait3A_283 = arith.constant 0 : i32
    %dma_wait3A_284 = arith.constant 0 : i32
    %dma_wait3A_285 = tpu.memref_slice %arg2[%dma_wait3A_283, %dma_wait3A_284] : memref<53932x64xf32, #tpu.memory_space<hbm>> -> memref<53932x64xf32, #tpu.memory_space<hbm>>
    tpu.wait_indirect_dma semaphore(%arg12 : memref<!tpu.dma_semaphore, #tpu.memory_space<semaphore_mem>>) src(%dma_wait3A_285 : memref<53932x64xf32, #tpu.memory_space<hbm>>) dst(%dma_wait3A_280 : memref<80x64xf32, #tpu.memory_space<vmem>>)
    %dma_wait3A_286 = arith.constant 1200 : i32
    %dma_wait3A_287 = arith.constant 0 : i32
    %dma_wait3A_288 = tpu.memref_slice %arg9[%dma_wait3A_286, %dma_wait3A_287] : memref<1600x64xf32, #tpu.memory_space<vmem>> -> memref<80x64xf32, #tpu.memory_space<vmem>>
    %dma_wait3A_289 = arith.constant 1200 : i32
    %dma_wait3A_290 = tpu.memref_slice %arg8[%dma_wait3A_289] : memref<1600xi32, #tpu.memory_space<vmem>> -> memref<80xi32, #tpu.memory_space<vmem>>
    %dma_wait3A_291 = arith.constant 0 : i32
    %dma_wait3A_292 = arith.constant 0 : i32
    %dma_wait3A_293 = tpu.memref_slice %arg2[%dma_wait3A_291, %dma_wait3A_292] : memref<53932x64xf32, #tpu.memory_space<hbm>> -> memref<53932x64xf32, #tpu.memory_space<hbm>>
    tpu.wait_indirect_dma semaphore(%arg12 : memref<!tpu.dma_semaphore, #tpu.memory_space<semaphore_mem>>) src(%dma_wait3A_293 : memref<53932x64xf32, #tpu.memory_space<hbm>>) dst(%dma_wait3A_288 : memref<80x64xf32, #tpu.memory_space<vmem>>)
    %dma_wait3A_294 = arith.constant 1280 : i32
    %dma_wait3A_295 = arith.constant 0 : i32
    %dma_wait3A_296 = tpu.memref_slice %arg9[%dma_wait3A_294, %dma_wait3A_295] : memref<1600x64xf32, #tpu.memory_space<vmem>> -> memref<80x64xf32, #tpu.memory_space<vmem>>
    %dma_wait3A_297 = arith.constant 1280 : i32
    %dma_wait3A_298 = tpu.memref_slice %arg8[%dma_wait3A_297] : memref<1600xi32, #tpu.memory_space<vmem>> -> memref<80xi32, #tpu.memory_space<vmem>>
    %dma_wait3A_299 = arith.constant 0 : i32
    %dma_wait3A_300 = arith.constant 0 : i32
    %dma_wait3A_301 = tpu.memref_slice %arg2[%dma_wait3A_299, %dma_wait3A_300] : memref<53932x64xf32, #tpu.memory_space<hbm>> -> memref<53932x64xf32, #tpu.memory_space<hbm>>
    tpu.wait_indirect_dma semaphore(%arg12 : memref<!tpu.dma_semaphore, #tpu.memory_space<semaphore_mem>>) src(%dma_wait3A_301 : memref<53932x64xf32, #tpu.memory_space<hbm>>) dst(%dma_wait3A_296 : memref<80x64xf32, #tpu.memory_space<vmem>>)
    %dma_wait3A_302 = arith.constant 1360 : i32
    %dma_wait3A_303 = arith.constant 0 : i32
    %dma_wait3A_304 = tpu.memref_slice %arg9[%dma_wait3A_302, %dma_wait3A_303] : memref<1600x64xf32, #tpu.memory_space<vmem>> -> memref<80x64xf32, #tpu.memory_space<vmem>>
    %dma_wait3A_305 = arith.constant 1360 : i32
    %dma_wait3A_306 = tpu.memref_slice %arg8[%dma_wait3A_305] : memref<1600xi32, #tpu.memory_space<vmem>> -> memref<80xi32, #tpu.memory_space<vmem>>
    %dma_wait3A_307 = arith.constant 0 : i32
    %dma_wait3A_308 = arith.constant 0 : i32
    %dma_wait3A_309 = tpu.memref_slice %arg2[%dma_wait3A_307, %dma_wait3A_308] : memref<53932x64xf32, #tpu.memory_space<hbm>> -> memref<53932x64xf32, #tpu.memory_space<hbm>>
    tpu.wait_indirect_dma semaphore(%arg12 : memref<!tpu.dma_semaphore, #tpu.memory_space<semaphore_mem>>) src(%dma_wait3A_309 : memref<53932x64xf32, #tpu.memory_space<hbm>>) dst(%dma_wait3A_304 : memref<80x64xf32, #tpu.memory_space<vmem>>)
    %dma_wait3A_310 = arith.constant 1440 : i32
    %dma_wait3A_311 = arith.constant 0 : i32
    %dma_wait3A_312 = tpu.memref_slice %arg9[%dma_wait3A_310, %dma_wait3A_311] : memref<1600x64xf32, #tpu.memory_space<vmem>> -> memref<80x64xf32, #tpu.memory_space<vmem>>
    %dma_wait3A_313 = arith.constant 1440 : i32
    %dma_wait3A_314 = tpu.memref_slice %arg8[%dma_wait3A_313] : memref<1600xi32, #tpu.memory_space<vmem>> -> memref<80xi32, #tpu.memory_space<vmem>>
    %dma_wait3A_315 = arith.constant 0 : i32
    %dma_wait3A_316 = arith.constant 0 : i32
    %dma_wait3A_317 = tpu.memref_slice %arg2[%dma_wait3A_315, %dma_wait3A_316] : memref<53932x64xf32, #tpu.memory_space<hbm>> -> memref<53932x64xf32, #tpu.memory_space<hbm>>
    tpu.wait_indirect_dma semaphore(%arg12 : memref<!tpu.dma_semaphore, #tpu.memory_space<semaphore_mem>>) src(%dma_wait3A_317 : memref<53932x64xf32, #tpu.memory_space<hbm>>) dst(%dma_wait3A_312 : memref<80x64xf32, #tpu.memory_space<vmem>>)
    %dma_wait3A_318 = arith.constant 1520 : i32
    %dma_wait3A_319 = arith.constant 0 : i32
    %dma_wait3A_320 = tpu.memref_slice %arg9[%dma_wait3A_318, %dma_wait3A_319] : memref<1600x64xf32, #tpu.memory_space<vmem>> -> memref<80x64xf32, #tpu.memory_space<vmem>>
    %dma_wait3A_321 = arith.constant 1520 : i32
    %dma_wait3A_322 = tpu.memref_slice %arg8[%dma_wait3A_321] : memref<1600xi32, #tpu.memory_space<vmem>> -> memref<80xi32, #tpu.memory_space<vmem>>
    %dma_wait3A_323 = arith.constant 0 : i32
    %dma_wait3A_324 = arith.constant 0 : i32
    %dma_wait3A_325 = tpu.memref_slice %arg2[%dma_wait3A_323, %dma_wait3A_324] : memref<53932x64xf32, #tpu.memory_space<hbm>> -> memref<53932x64xf32, #tpu.memory_space<hbm>>
    tpu.wait_indirect_dma semaphore(%arg12 : memref<!tpu.dma_semaphore, #tpu.memory_space<semaphore_mem>>) src(%dma_wait3A_325 : memref<53932x64xf32, #tpu.memory_space<hbm>>) dst(%dma_wait3A_320 : memref<80x64xf32, #tpu.memory_space<vmem>>)
    %dma_wait3A_326 = arith.constant 0 : i32
    %dma_wait3A_327 = arith.constant 0 : i32
    %dma_wait3A_328 = tpu.memref_slice %arg4[%dma_wait3A_326, %dma_wait3A_327] : memref<1856x64xf32, #tpu.memory_space<hbm>> -> memref<1856x64xf32, #tpu.memory_space<hbm>>
    tpu.wait_indirect_dma semaphore(%arg12 : memref<!tpu.dma_semaphore, #tpu.memory_space<semaphore_mem>>) src(%dma_wait3A_328 : memref<1856x64xf32, #tpu.memory_space<hbm>>) dst(%arg11 : memref<32x64xf32, #tpu.memory_space<vmem>>)
    "tpu.region"() ({
      %run_scoped3A = tpu.sem_alloc : memref<!tpu.dma_semaphore, #tpu.memory_space<semaphore_mem>>
      %dma_start3A_329 = arith.constant 0 : i32
      %dma_start3A_330 = tpu.memref_slice %arg6[%mul3A_2, %dma_start3A_329] : memref<51200x64xf32, #tpu.memory_space<hbm>> -> memref<1600x64xf32, #tpu.memory_space<hbm>>
      %dma_start3A_331 = arith.constant 0 : i32
      %dma_start3A_332 = tpu.memref_slice %arg6[%mul3A_2, %dma_start3A_331] : memref<51200x64xf32, #tpu.memory_space<hbm>> -> memref<1600x64xf32, #tpu.memory_space<hbm>>
      tpu.enqueue_dma source(%arg9 : memref<1600x64xf32, #tpu.memory_space<vmem>>) target(%dma_start3A_332 : memref<1600x64xf32, #tpu.memory_space<hbm>>) target_semaphore(%run_scoped3A : memref<!tpu.dma_semaphore, #tpu.memory_space<semaphore_mem>>)
      %dma_wait3A_333 = arith.constant 0 : i32
      %dma_wait3A_334 = tpu.memref_slice %arg6[%mul3A_2, %dma_wait3A_333] : memref<51200x64xf32, #tpu.memory_space<hbm>> -> memref<1600x64xf32, #tpu.memory_space<hbm>>
      %dma_wait3A_335 = arith.constant 0 : i32
      %dma_wait3A_336 = tpu.memref_slice %arg6[%mul3A_2, %dma_wait3A_335] : memref<51200x64xf32, #tpu.memory_space<hbm>> -> memref<1600x64xf32, #tpu.memory_space<hbm>>
      tpu.wait_dma2 semaphore(%run_scoped3A : memref<!tpu.dma_semaphore, #tpu.memory_space<semaphore_mem>>) src(%arg9 : memref<1600x64xf32, #tpu.memory_space<vmem>>) dst(%dma_wait3A_336 : memref<1600x64xf32, #tpu.memory_space<hbm>>)
      tpu.yield
    }) : () -> ()
    "tpu.region"() ({
      %run_scoped3A = tpu.sem_alloc : memref<!tpu.dma_semaphore, #tpu.memory_space<semaphore_mem>>
      %dma_start3A_329 = arith.constant 0 : i32
      %dma_start3A_330 = tpu.memref_slice %arg7[%mul3A_4, %dma_start3A_329] : memref<1024x64xf32, #tpu.memory_space<hbm>> -> memref<32x64xf32, #tpu.memory_space<hbm>>
      %dma_start3A_331 = arith.constant 0 : i32
      %dma_start3A_332 = tpu.memref_slice %arg7[%mul3A_4, %dma_start3A_331] : memref<1024x64xf32, #tpu.memory_space<hbm>> -> memref<32x64xf32, #tpu.memory_space<hbm>>
      tpu.enqueue_dma source(%arg11 : memref<32x64xf32, #tpu.memory_space<vmem>>) target(%dma_start3A_332 : memref<32x64xf32, #tpu.memory_space<hbm>>) target_semaphore(%run_scoped3A : memref<!tpu.dma_semaphore, #tpu.memory_space<semaphore_mem>>)
      %dma_wait3A_333 = arith.constant 0 : i32
      %dma_wait3A_334 = tpu.memref_slice %arg7[%mul3A_4, %dma_wait3A_333] : memref<1024x64xf32, #tpu.memory_space<hbm>> -> memref<32x64xf32, #tpu.memory_space<hbm>>
      %dma_wait3A_335 = arith.constant 0 : i32
      %dma_wait3A_336 = tpu.memref_slice %arg7[%mul3A_4, %dma_wait3A_335] : memref<1024x64xf32, #tpu.memory_space<hbm>> -> memref<32x64xf32, #tpu.memory_space<hbm>>
      tpu.wait_dma2 semaphore(%run_scoped3A : memref<!tpu.dma_semaphore, #tpu.memory_space<semaphore_mem>>) src(%arg11 : memref<32x64xf32, #tpu.memory_space<vmem>>) dst(%dma_wait3A_336 : memref<32x64xf32, #tpu.memory_space<hbm>>)
      tpu.yield
    }) : () -> ()
    return
  }
}

module attributes {stable_mosaic.version = 14 : i64} {
  func.func @_din_block(%arg0: i32, %arg1: memref<800x2048xf32, #tpu.memory_space<vmem>>, %arg2: memref<800x64xf32, #tpu.memory_space<vmem>>, %arg3: memref<800x23xf32, #tpu.memory_space<vmem>>, %arg4: memref<16x64xf32, #tpu.memory_space<vmem>>, %arg5: memref<16x2048xf32, #tpu.memory_space<vmem>>, %arg6: memref<16x23xf32, #tpu.memory_space<vmem>>, %arg7: memref<16x24xf32, #tpu.memory_space<vmem>>, %arg8: memref<16x2xf32, #tpu.memory_space<vmem>>, %arg9: memref<16x9xf32, #tpu.memory_space<vmem>>, %arg10: memref<16x1xf32, #tpu.memory_space<vmem>>, %arg11: memref<2048x64xf32, #tpu.memory_space<vmem>>, %arg12: memref<1x64xf32, #tpu.memory_space<vmem>>, %arg13: memref<2048x64xf32, #tpu.memory_space<vmem>>, %arg14: memref<1x64xf32, #tpu.memory_space<vmem>>, %arg15: memref<64x80xf32, #tpu.memory_space<vmem>>, %arg16: memref<64x80xf32, #tpu.memory_space<vmem>>, %arg17: memref<23x80xf32, #tpu.memory_space<vmem>>, %arg18: memref<64x80xf32, #tpu.memory_space<vmem>>, %arg19: memref<64x80xf32, #tpu.memory_space<vmem>>, %arg20: memref<23x80xf32, #tpu.memory_space<vmem>>, %arg21: memref<64x80xf32, #tpu.memory_space<vmem>>, %arg22: memref<64x80xf32, #tpu.memory_space<vmem>>, %arg23: memref<23x80xf32, #tpu.memory_space<vmem>>, %arg24: memref<1x80xf32, #tpu.memory_space<vmem>>, %arg25: memref<80x40xf32, #tpu.memory_space<vmem>>, %arg26: memref<1x40xf32, #tpu.memory_space<vmem>>, %arg27: memref<40x1xf32, #tpu.memory_space<vmem>>, %arg28: memref<1x1xf32, #tpu.memory_space<vmem>>, %arg29: memref<24x200xf32, #tpu.memory_space<vmem>>, %arg30: memref<2x200xf32, #tpu.memory_space<vmem>>, %arg31: memref<9x200xf32, #tpu.memory_space<vmem>>, %arg32: memref<64x200xf32, #tpu.memory_space<vmem>>, %arg33: memref<64x200xf32, #tpu.memory_space<vmem>>, %arg34: memref<23x200xf32, #tpu.memory_space<vmem>>, %arg35: memref<64x200xf32, #tpu.memory_space<vmem>>, %arg36: memref<64x200xf32, #tpu.memory_space<vmem>>, %arg37: memref<23x200xf32, #tpu.memory_space<vmem>>, %arg38: memref<1x200xf32, #tpu.memory_space<vmem>>, %arg39: memref<200x80xf32, #tpu.memory_space<vmem>>, %arg40: memref<1x80xf32, #tpu.memory_space<vmem>>, %arg41: memref<80x1xf32, #tpu.memory_space<vmem>>, %arg42: memref<16x1xf32, #tpu.memory_space<vmem>>) attributes {dimension_semantics = [#tpu.dimension_semantics<arbitrary>], iteration_bounds = array<i64: 64>, scalar_prefetch = 0 : i64, scratch_operands = 0 : i64, tpu.core_type = #tpu.core_type<tc>, window_params = [{transform_indices = @transform_0, window_bounds = array<i64: 800, 2048>}, {transform_indices = @transform_1, window_bounds = array<i64: 800, 64>}, {transform_indices = @transform_2, window_bounds = array<i64: 800, 23>}, {transform_indices = @transform_3, window_bounds = array<i64: 16, 64>}, {transform_indices = @transform_4, window_bounds = array<i64: 16, 2048>}, {transform_indices = @transform_5, window_bounds = array<i64: 16, 23>}, {transform_indices = @transform_6, window_bounds = array<i64: 16, 24>}, {transform_indices = @transform_7, window_bounds = array<i64: 16, 2>}, {transform_indices = @transform_8, window_bounds = array<i64: 16, 9>}, {transform_indices = @transform_9, window_bounds = array<i64: 16, 1>}, {pipeline_mode = #tpu.pipeline_mode<synchronous>, transform_indices = @transform_10, window_bounds = array<i64: 2048, 64>}, {pipeline_mode = #tpu.pipeline_mode<synchronous>, transform_indices = @transform_11, window_bounds = array<i64: 1, 64>}, {pipeline_mode = #tpu.pipeline_mode<synchronous>, transform_indices = @transform_12, window_bounds = array<i64: 2048, 64>}, {pipeline_mode = #tpu.pipeline_mode<synchronous>, transform_indices = @transform_13, window_bounds = array<i64: 1, 64>}, {pipeline_mode = #tpu.pipeline_mode<synchronous>, transform_indices = @transform_14, window_bounds = array<i64: 64, 80>}, {pipeline_mode = #tpu.pipeline_mode<synchronous>, transform_indices = @transform_15, window_bounds = array<i64: 64, 80>}, {pipeline_mode = #tpu.pipeline_mode<synchronous>, transform_indices = @transform_16, window_bounds = array<i64: 23, 80>}, {pipeline_mode = #tpu.pipeline_mode<synchronous>, transform_indices = @transform_17, window_bounds = array<i64: 64, 80>}, {pipeline_mode = #tpu.pipeline_mode<synchronous>, transform_indices = @transform_18, window_bounds = array<i64: 64, 80>}, {pipeline_mode = #tpu.pipeline_mode<synchronous>, transform_indices = @transform_19, window_bounds = array<i64: 23, 80>}, {pipeline_mode = #tpu.pipeline_mode<synchronous>, transform_indices = @transform_20, window_bounds = array<i64: 64, 80>}, {pipeline_mode = #tpu.pipeline_mode<synchronous>, transform_indices = @transform_21, window_bounds = array<i64: 64, 80>}, {pipeline_mode = #tpu.pipeline_mode<synchronous>, transform_indices = @transform_22, window_bounds = array<i64: 23, 80>}, {pipeline_mode = #tpu.pipeline_mode<synchronous>, transform_indices = @transform_23, window_bounds = array<i64: 1, 80>}, {pipeline_mode = #tpu.pipeline_mode<synchronous>, transform_indices = @transform_24, window_bounds = array<i64: 80, 40>}, {pipeline_mode = #tpu.pipeline_mode<synchronous>, transform_indices = @transform_25, window_bounds = array<i64: 1, 40>}, {pipeline_mode = #tpu.pipeline_mode<synchronous>, transform_indices = @transform_26, window_bounds = array<i64: 40, 1>}, {pipeline_mode = #tpu.pipeline_mode<synchronous>, transform_indices = @transform_27, window_bounds = array<i64: 1, 1>}, {pipeline_mode = #tpu.pipeline_mode<synchronous>, transform_indices = @transform_28, window_bounds = array<i64: 24, 200>}, {pipeline_mode = #tpu.pipeline_mode<synchronous>, transform_indices = @transform_29, window_bounds = array<i64: 2, 200>}, {pipeline_mode = #tpu.pipeline_mode<synchronous>, transform_indices = @transform_30, window_bounds = array<i64: 9, 200>}, {pipeline_mode = #tpu.pipeline_mode<synchronous>, transform_indices = @transform_31, window_bounds = array<i64: 64, 200>}, {pipeline_mode = #tpu.pipeline_mode<synchronous>, transform_indices = @transform_32, window_bounds = array<i64: 64, 200>}, {pipeline_mode = #tpu.pipeline_mode<synchronous>, transform_indices = @transform_33, window_bounds = array<i64: 23, 200>}, {pipeline_mode = #tpu.pipeline_mode<synchronous>, transform_indices = @transform_34, window_bounds = array<i64: 64, 200>}, {pipeline_mode = #tpu.pipeline_mode<synchronous>, transform_indices = @transform_35, window_bounds = array<i64: 64, 200>}, {pipeline_mode = #tpu.pipeline_mode<synchronous>, transform_indices = @transform_36, window_bounds = array<i64: 23, 200>}, {pipeline_mode = #tpu.pipeline_mode<synchronous>, transform_indices = @transform_37, window_bounds = array<i64: 1, 200>}, {pipeline_mode = #tpu.pipeline_mode<synchronous>, transform_indices = @transform_38, window_bounds = array<i64: 200, 80>}, {pipeline_mode = #tpu.pipeline_mode<synchronous>, transform_indices = @transform_39, window_bounds = array<i64: 1, 80>}, {pipeline_mode = #tpu.pipeline_mode<synchronous>, transform_indices = @transform_40, window_bounds = array<i64: 80, 1>}, {transform_indices = @transform_41, window_bounds = array<i64: 16, 1>}]} {
    %get3A = arith.constant 0 : index
    %get3A_0 = arith.constant 0 : index
    %get3A_1 = vector.load %arg5[%get3A, %get3A_0] : memref<16x2048xf32, #tpu.memory_space<vmem>>, vector<16x2048xf32>
    %get3A_2 = arith.constant 0 : index
    %get3A_3 = arith.constant 0 : index
    %get3A_4 = vector.load %arg11[%get3A_2, %get3A_3] : memref<2048x64xf32, #tpu.memory_space<vmem>>, vector<2048x64xf32>
    %dot_general3A = arith.constant dense<0.000000e+00> : vector<16x64xf32>
    %dot_general3A_5 = tpu.matmul %get3A_1, %get3A_4, %dot_general3A {dimension_numbers = #tpu.dot_dimension_numbers<[1], [0], [0], [1], [0, 0, 1, 1], [], []>, transpose_lhs_hint = false} : vector<16x2048xf32>, vector<2048x64xf32>, vector<16x64xf32> -> vector<16x64xf32>
    %get3A_6 = arith.constant 0 : index
    %get3A_7 = arith.constant 0 : index
    %get3A_8 = vector.load %arg12[%get3A_6, %get3A_7] : memref<1x64xf32, #tpu.memory_space<vmem>>, vector<1x64xf32>
    %add3A = vector.broadcast %get3A_8 : vector<1x64xf32> to vector<16x64xf32>
    %add3A_9 = arith.addf %dot_general3A_5, %add3A : vector<16x64xf32>
    %max3A = arith.constant 0.000000e+00 : f32
    %max3A_10 = vector.broadcast %max3A : f32 to vector<16x64xf32>
    %max3A_11 = arith.maximumf %add3A_9, %max3A_10 : vector<16x64xf32>
    %get3A_12 = arith.constant 0 : index
    %get3A_13 = arith.constant 0 : index
    %get3A_14 = vector.load %arg4[%get3A_12, %get3A_13] : memref<16x64xf32, #tpu.memory_space<vmem>>, vector<16x64xf32>
    %get3A_15 = arith.constant 0 : index
    %get3A_16 = arith.constant 0 : index
    %get3A_17 = vector.load %arg6[%get3A_15, %get3A_16] : memref<16x23xf32, #tpu.memory_space<vmem>>, vector<16x23xf32>
    %get3A_18 = arith.constant 0 : index
    %get3A_19 = arith.constant 0 : index
    %get3A_20 = vector.load %arg1[%get3A_18, %get3A_19] : memref<800x2048xf32, #tpu.memory_space<vmem>>, vector<800x2048xf32>
    %get3A_21 = arith.constant 0 : index
    %get3A_22 = arith.constant 0 : index
    %get3A_23 = vector.load %arg13[%get3A_21, %get3A_22] : memref<2048x64xf32, #tpu.memory_space<vmem>>, vector<2048x64xf32>
    %dot_general3A_24 = arith.constant dense<0.000000e+00> : vector<800x64xf32>
    %dot_general3A_25 = tpu.matmul %get3A_20, %get3A_23, %dot_general3A_24 {dimension_numbers = #tpu.dot_dimension_numbers<[1], [0], [0], [1], [0, 0, 1, 1], [], []>, transpose_lhs_hint = false} : vector<800x2048xf32>, vector<2048x64xf32>, vector<800x64xf32> -> vector<800x64xf32>
    %get3A_26 = arith.constant 0 : index
    %get3A_27 = arith.constant 0 : index
    %get3A_28 = vector.load %arg14[%get3A_26, %get3A_27] : memref<1x64xf32, #tpu.memory_space<vmem>>, vector<1x64xf32>
    %add3A_29 = vector.broadcast %get3A_28 : vector<1x64xf32> to vector<800x64xf32>
    %add3A_30 = arith.addf %dot_general3A_25, %add3A_29 : vector<800x64xf32>
    %max3A_31 = arith.constant 0.000000e+00 : f32
    %max3A_32 = vector.broadcast %max3A_31 : f32 to vector<800x64xf32>
    %max3A_33 = arith.maximumf %add3A_30, %max3A_32 : vector<800x64xf32>
    %get3A_34 = arith.constant 0 : index
    %get3A_35 = arith.constant 0 : index
    %get3A_36 = vector.load %arg2[%get3A_34, %get3A_35] : memref<800x64xf32, #tpu.memory_space<vmem>>, vector<800x64xf32>
    %get3A_37 = arith.constant 0 : index
    %get3A_38 = arith.constant 0 : index
    %get3A_39 = vector.load %arg3[%get3A_37, %get3A_38] : memref<800x23xf32, #tpu.memory_space<vmem>>, vector<800x23xf32>
    %iota3A = tpu.iota {dimensions = array<i32: 0>} : vector<800x16xi32>
    %iota3A_40 = tpu.iota {dimensions = array<i32: 1>} : vector<800x16xi32>
    %jit3A = arith.constant 50 : i32
    %div3A = vector.broadcast %jit3A : i32 to vector<800x16xi32>
    %div3A_41 = arith.divsi %iota3A, %div3A : vector<800x16xi32>
    %sign3A = arith.constant 0 : i32
    %sign3A_42 = vector.broadcast %sign3A : i32 to vector<800x16xi32>
    %sign3A_43 = arith.cmpi sgt, %iota3A, %sign3A_42 : vector<800x16xi32>
    %sign3A_44 = arith.extui %sign3A_43 : vector<800x16xi1> to vector<800x16xi32>
    %sign3A_45 = arith.constant 0 : i32
    %sign3A_46 = vector.broadcast %sign3A_45 : i32 to vector<800x16xi32>
    %sign3A_47 = arith.cmpi slt, %iota3A, %sign3A_46 : vector<800x16xi32>
    %sign3A_48 = arith.extui %sign3A_47 : vector<800x16xi1> to vector<800x16xi32>
    %sign3A_49 = arith.subi %sign3A_44, %sign3A_48 : vector<800x16xi32>
    %sign3A_50 = arith.constant 0 : i32
    %sign3A_51 = arith.cmpi sgt, %jit3A, %sign3A_50 : i32
    %sign3A_52 = arith.extui %sign3A_51 : i1 to i32
    %sign3A_53 = arith.constant 0 : i32
    %sign3A_54 = arith.cmpi slt, %jit3A, %sign3A_53 : i32
    %sign3A_55 = arith.extui %sign3A_54 : i1 to i32
    %sign3A_56 = arith.subi %sign3A_52, %sign3A_55 : i32
    %ne3A = vector.broadcast %sign3A_56 : i32 to vector<800x16xi32>
    %ne3A_57 = arith.cmpi ne, %sign3A_49, %ne3A : vector<800x16xi32>
    %rem3A = vector.broadcast %jit3A : i32 to vector<800x16xi32>
    %rem3A_58 = arith.remsi %iota3A, %rem3A : vector<800x16xi32>
    %ne3A_59 = arith.constant 0 : i32
    %ne3A_60 = vector.broadcast %ne3A_59 : i32 to vector<800x16xi32>
    %ne3A_61 = arith.cmpi ne, %rem3A_58, %ne3A_60 : vector<800x16xi32>
    %and3A = arith.andi %ne3A_57, %ne3A_61 : vector<800x16xi1>
    %sub3A = arith.constant 1 : i32
    %sub3A_62 = vector.broadcast %sub3A : i32 to vector<800x16xi32>
    %sub3A_63 = arith.subi %div3A_41, %sub3A_62 : vector<800x16xi32>
    %select_n3A = arith.select %and3A, %sub3A_63, %div3A_41 : vector<800x16xi1>, vector<800x16xi32>
    %eq3A = arith.cmpi eq, %select_n3A, %iota3A_40 : vector<800x16xi32>
    %convert_element_type3A = arith.extui %eq3A : vector<800x16xi1> to vector<800x16xi32>
    %convert_element_type3A_64 = arith.sitofp %convert_element_type3A : vector<800x16xi32> to vector<800x16xf32>
    %iota3A_65 = tpu.iota {dimensions = array<i32: 1>} : vector<16x800xi32>
    %iota3A_66 = tpu.iota {dimensions = array<i32: 0>} : vector<16x800xi32>
    %jit3A_67 = arith.constant 50 : i32
    %div3A_68 = vector.broadcast %jit3A_67 : i32 to vector<16x800xi32>
    %div3A_69 = arith.divsi %iota3A_65, %div3A_68 : vector<16x800xi32>
    %sign3A_70 = arith.constant 0 : i32
    %sign3A_71 = vector.broadcast %sign3A_70 : i32 to vector<16x800xi32>
    %sign3A_72 = arith.cmpi sgt, %iota3A_65, %sign3A_71 : vector<16x800xi32>
    %sign3A_73 = arith.extui %sign3A_72 : vector<16x800xi1> to vector<16x800xi32>
    %sign3A_74 = arith.constant 0 : i32
    %sign3A_75 = vector.broadcast %sign3A_74 : i32 to vector<16x800xi32>
    %sign3A_76 = arith.cmpi slt, %iota3A_65, %sign3A_75 : vector<16x800xi32>
    %sign3A_77 = arith.extui %sign3A_76 : vector<16x800xi1> to vector<16x800xi32>
    %sign3A_78 = arith.subi %sign3A_73, %sign3A_77 : vector<16x800xi32>
    %sign3A_79 = arith.constant 0 : i32
    %sign3A_80 = arith.cmpi sgt, %jit3A_67, %sign3A_79 : i32
    %sign3A_81 = arith.extui %sign3A_80 : i1 to i32
    %sign3A_82 = arith.constant 0 : i32
    %sign3A_83 = arith.cmpi slt, %jit3A_67, %sign3A_82 : i32
    %sign3A_84 = arith.extui %sign3A_83 : i1 to i32
    %sign3A_85 = arith.subi %sign3A_81, %sign3A_84 : i32
    %ne3A_86 = vector.broadcast %sign3A_85 : i32 to vector<16x800xi32>
    %ne3A_87 = arith.cmpi ne, %sign3A_78, %ne3A_86 : vector<16x800xi32>
    %rem3A_88 = vector.broadcast %jit3A_67 : i32 to vector<16x800xi32>
    %rem3A_89 = arith.remsi %iota3A_65, %rem3A_88 : vector<16x800xi32>
    %ne3A_90 = arith.constant 0 : i32
    %ne3A_91 = vector.broadcast %ne3A_90 : i32 to vector<16x800xi32>
    %ne3A_92 = arith.cmpi ne, %rem3A_89, %ne3A_91 : vector<16x800xi32>
    %and3A_93 = arith.andi %ne3A_87, %ne3A_92 : vector<16x800xi1>
    %sub3A_94 = arith.constant 1 : i32
    %sub3A_95 = vector.broadcast %sub3A_94 : i32 to vector<16x800xi32>
    %sub3A_96 = arith.subi %div3A_69, %sub3A_95 : vector<16x800xi32>
    %select_n3A_97 = arith.select %and3A_93, %sub3A_96, %div3A_69 : vector<16x800xi1>, vector<16x800xi32>
    %eq3A_98 = arith.cmpi eq, %select_n3A_97, %iota3A_66 : vector<16x800xi32>
    %convert_element_type3A_99 = arith.extui %eq3A_98 : vector<16x800xi1> to vector<16x800xi32>
    %convert_element_type3A_100 = arith.sitofp %convert_element_type3A_99 : vector<16x800xi32> to vector<16x800xf32>
    %get3A_101 = arith.constant 0 : index
    %get3A_102 = arith.constant 0 : index
    %get3A_103 = vector.load %arg15[%get3A_101, %get3A_102] : memref<64x80xf32, #tpu.memory_space<vmem>>, vector<64x80xf32>
    %dot_general3A_104 = arith.constant dense<0.000000e+00> : vector<16x80xf32>
    %dot_general3A_105 = tpu.matmul %get3A_14, %get3A_103, %dot_general3A_104 {dimension_numbers = #tpu.dot_dimension_numbers<[1], [0], [0], [1], [0, 0, 1, 1], [], []>, transpose_lhs_hint = false} : vector<16x64xf32>, vector<64x80xf32>, vector<16x80xf32> -> vector<16x80xf32>
    %get3A_106 = arith.constant 0 : index
    %get3A_107 = arith.constant 0 : index
    %get3A_108 = vector.load %arg16[%get3A_106, %get3A_107] : memref<64x80xf32, #tpu.memory_space<vmem>>, vector<64x80xf32>
    %dot_general3A_109 = arith.constant dense<0.000000e+00> : vector<16x80xf32>
    %dot_general3A_110 = tpu.matmul %max3A_11, %get3A_108, %dot_general3A_109 {dimension_numbers = #tpu.dot_dimension_numbers<[1], [0], [0], [1], [0, 0, 1, 1], [], []>, transpose_lhs_hint = false} : vector<16x64xf32>, vector<64x80xf32>, vector<16x80xf32> -> vector<16x80xf32>
    %add3A_111 = arith.addf %dot_general3A_105, %dot_general3A_110 : vector<16x80xf32>
    %get3A_112 = arith.constant 0 : index
    %get3A_113 = arith.constant 0 : index
    %get3A_114 = vector.load %arg17[%get3A_112, %get3A_113] : memref<23x80xf32, #tpu.memory_space<vmem>>, vector<23x80xf32>
    %dot_general3A_115 = arith.constant dense<0.000000e+00> : vector<16x80xf32>
    %dot_general3A_116 = tpu.matmul %get3A_17, %get3A_114, %dot_general3A_115 {dimension_numbers = #tpu.dot_dimension_numbers<[1], [0], [0], [1], [0, 0, 1, 1], [], []>, transpose_lhs_hint = false} : vector<16x23xf32>, vector<23x80xf32>, vector<16x80xf32> -> vector<16x80xf32>
    %add3A_117 = arith.addf %add3A_111, %dot_general3A_116 : vector<16x80xf32>
    %get3A_118 = arith.constant 0 : index
    %get3A_119 = arith.constant 0 : index
    %get3A_120 = vector.load %arg24[%get3A_118, %get3A_119] : memref<1x80xf32, #tpu.memory_space<vmem>>, vector<1x80xf32>
    %add3A_121 = vector.broadcast %get3A_120 : vector<1x80xf32> to vector<16x80xf32>
    %add3A_122 = arith.addf %add3A_117, %add3A_121 : vector<16x80xf32>
    %dot_general3A_123 = arith.constant dense<0.000000e+00> : vector<800x64xf32>
    %dot_general3A_124 = tpu.matmul %convert_element_type3A_64, %get3A_14, %dot_general3A_123 {dimension_numbers = #tpu.dot_dimension_numbers<[1], [0], [0], [1], [0, 0, 1, 1], [], []>, transpose_lhs_hint = false} : vector<800x16xf32>, vector<16x64xf32>, vector<800x64xf32> -> vector<800x64xf32>
    %dot_general3A_125 = arith.constant dense<0.000000e+00> : vector<800x64xf32>
    %dot_general3A_126 = tpu.matmul %convert_element_type3A_64, %max3A_11, %dot_general3A_125 {dimension_numbers = #tpu.dot_dimension_numbers<[1], [0], [0], [1], [0, 0, 1, 1], [], []>, transpose_lhs_hint = false} : vector<800x16xf32>, vector<16x64xf32>, vector<800x64xf32> -> vector<800x64xf32>
    %dot_general3A_127 = arith.constant dense<0.000000e+00> : vector<800x23xf32>
    %dot_general3A_128 = tpu.matmul %convert_element_type3A_64, %get3A_17, %dot_general3A_127 {dimension_numbers = #tpu.dot_dimension_numbers<[1], [0], [0], [1], [0, 0, 1, 1], [], []>, transpose_lhs_hint = false} : vector<800x16xf32>, vector<16x23xf32>, vector<800x23xf32> -> vector<800x23xf32>
    %dot_general3A_129 = arith.constant dense<0.000000e+00> : vector<800x80xf32>
    %dot_general3A_130 = tpu.matmul %convert_element_type3A_64, %add3A_122, %dot_general3A_129 {dimension_numbers = #tpu.dot_dimension_numbers<[1], [0], [0], [1], [0, 0, 1, 1], [], []>, transpose_lhs_hint = false} : vector<800x16xf32>, vector<16x80xf32>, vector<800x80xf32> -> vector<800x80xf32>
    %get3A_131 = arith.constant 0 : index
    %get3A_132 = arith.constant 0 : index
    %get3A_133 = vector.load %arg18[%get3A_131, %get3A_132] : memref<64x80xf32, #tpu.memory_space<vmem>>, vector<64x80xf32>
    %dot_general3A_134 = arith.constant dense<0.000000e+00> : vector<800x80xf32>
    %dot_general3A_135 = tpu.matmul %get3A_36, %get3A_133, %dot_general3A_134 {dimension_numbers = #tpu.dot_dimension_numbers<[1], [0], [0], [1], [0, 0, 1, 1], [], []>, transpose_lhs_hint = false} : vector<800x64xf32>, vector<64x80xf32>, vector<800x80xf32> -> vector<800x80xf32>
    %add3A_136 = arith.addf %dot_general3A_130, %dot_general3A_135 : vector<800x80xf32>
    %get3A_137 = arith.constant 0 : index
    %get3A_138 = arith.constant 0 : index
    %get3A_139 = vector.load %arg19[%get3A_137, %get3A_138] : memref<64x80xf32, #tpu.memory_space<vmem>>, vector<64x80xf32>
    %dot_general3A_140 = arith.constant dense<0.000000e+00> : vector<800x80xf32>
    %dot_general3A_141 = tpu.matmul %max3A_33, %get3A_139, %dot_general3A_140 {dimension_numbers = #tpu.dot_dimension_numbers<[1], [0], [0], [1], [0, 0, 1, 1], [], []>, transpose_lhs_hint = false} : vector<800x64xf32>, vector<64x80xf32>, vector<800x80xf32> -> vector<800x80xf32>
    %add3A_142 = arith.addf %add3A_136, %dot_general3A_141 : vector<800x80xf32>
    %get3A_143 = arith.constant 0 : index
    %get3A_144 = arith.constant 0 : index
    %get3A_145 = vector.load %arg20[%get3A_143, %get3A_144] : memref<23x80xf32, #tpu.memory_space<vmem>>, vector<23x80xf32>
    %dot_general3A_146 = arith.constant dense<0.000000e+00> : vector<800x80xf32>
    %dot_general3A_147 = tpu.matmul %get3A_39, %get3A_145, %dot_general3A_146 {dimension_numbers = #tpu.dot_dimension_numbers<[1], [0], [0], [1], [0, 0, 1, 1], [], []>, transpose_lhs_hint = false} : vector<800x23xf32>, vector<23x80xf32>, vector<800x80xf32> -> vector<800x80xf32>
    %add3A_148 = arith.addf %add3A_142, %dot_general3A_147 : vector<800x80xf32>
    %mul3A = arith.mulf %dot_general3A_124, %get3A_36 : vector<800x64xf32>
    %get3A_149 = arith.constant 0 : index
    %get3A_150 = arith.constant 0 : index
    %get3A_151 = vector.load %arg21[%get3A_149, %get3A_150] : memref<64x80xf32, #tpu.memory_space<vmem>>, vector<64x80xf32>
    %dot_general3A_152 = arith.constant dense<0.000000e+00> : vector<800x80xf32>
    %dot_general3A_153 = tpu.matmul %mul3A, %get3A_151, %dot_general3A_152 {dimension_numbers = #tpu.dot_dimension_numbers<[1], [0], [0], [1], [0, 0, 1, 1], [], []>, transpose_lhs_hint = false} : vector<800x64xf32>, vector<64x80xf32>, vector<800x80xf32> -> vector<800x80xf32>
    %add3A_154 = arith.addf %add3A_148, %dot_general3A_153 : vector<800x80xf32>
    %mul3A_155 = arith.mulf %dot_general3A_126, %max3A_33 : vector<800x64xf32>
    %get3A_156 = arith.constant 0 : index
    %get3A_157 = arith.constant 0 : index
    %get3A_158 = vector.load %arg22[%get3A_156, %get3A_157] : memref<64x80xf32, #tpu.memory_space<vmem>>, vector<64x80xf32>
    %dot_general3A_159 = arith.constant dense<0.000000e+00> : vector<800x80xf32>
    %dot_general3A_160 = tpu.matmul %mul3A_155, %get3A_158, %dot_general3A_159 {dimension_numbers = #tpu.dot_dimension_numbers<[1], [0], [0], [1], [0, 0, 1, 1], [], []>, transpose_lhs_hint = false} : vector<800x64xf32>, vector<64x80xf32>, vector<800x80xf32> -> vector<800x80xf32>
    %add3A_161 = arith.addf %add3A_154, %dot_general3A_160 : vector<800x80xf32>
    %mul3A_162 = arith.mulf %dot_general3A_128, %get3A_39 : vector<800x23xf32>
    %get3A_163 = arith.constant 0 : index
    %get3A_164 = arith.constant 0 : index
    %get3A_165 = vector.load %arg23[%get3A_163, %get3A_164] : memref<23x80xf32, #tpu.memory_space<vmem>>, vector<23x80xf32>
    %dot_general3A_166 = arith.constant dense<0.000000e+00> : vector<800x80xf32>
    %dot_general3A_167 = tpu.matmul %mul3A_162, %get3A_165, %dot_general3A_166 {dimension_numbers = #tpu.dot_dimension_numbers<[1], [0], [0], [1], [0, 0, 1, 1], [], []>, transpose_lhs_hint = false} : vector<800x23xf32>, vector<23x80xf32>, vector<800x80xf32> -> vector<800x80xf32>
    %add3A_168 = arith.addf %add3A_161, %dot_general3A_167 : vector<800x80xf32>
    %max3A_169 = arith.constant 0.000000e+00 : f32
    %max3A_170 = vector.broadcast %max3A_169 : f32 to vector<800x80xf32>
    %max3A_171 = arith.maximumf %add3A_168, %max3A_170 : vector<800x80xf32>
    %get3A_172 = arith.constant 0 : index
    %get3A_173 = arith.constant 0 : index
    %get3A_174 = vector.load %arg25[%get3A_172, %get3A_173] : memref<80x40xf32, #tpu.memory_space<vmem>>, vector<80x40xf32>
    %dot_general3A_175 = arith.constant dense<0.000000e+00> : vector<800x40xf32>
    %dot_general3A_176 = tpu.matmul %max3A_171, %get3A_174, %dot_general3A_175 {dimension_numbers = #tpu.dot_dimension_numbers<[1], [0], [0], [1], [0, 0, 1, 1], [], []>, transpose_lhs_hint = false} : vector<800x80xf32>, vector<80x40xf32>, vector<800x40xf32> -> vector<800x40xf32>
    %get3A_177 = arith.constant 0 : index
    %get3A_178 = arith.constant 0 : index
    %get3A_179 = vector.load %arg26[%get3A_177, %get3A_178] : memref<1x40xf32, #tpu.memory_space<vmem>>, vector<1x40xf32>
    %add3A_180 = vector.broadcast %get3A_179 : vector<1x40xf32> to vector<800x40xf32>
    %add3A_181 = arith.addf %dot_general3A_176, %add3A_180 : vector<800x40xf32>
    %max3A_182 = arith.constant 0.000000e+00 : f32
    %max3A_183 = vector.broadcast %max3A_182 : f32 to vector<800x40xf32>
    %max3A_184 = arith.maximumf %add3A_181, %max3A_183 : vector<800x40xf32>
    %get3A_185 = arith.constant 0 : index
    %get3A_186 = arith.constant 0 : index
    %get3A_187 = vector.load %arg27[%get3A_185, %get3A_186] : memref<40x1xf32, #tpu.memory_space<vmem>>, vector<40x1xf32>
    %dot_general3A_188 = arith.constant dense<0.000000e+00> : vector<800x1xf32>
    %dot_general3A_189 = tpu.matmul %max3A_184, %get3A_187, %dot_general3A_188 {dimension_numbers = #tpu.dot_dimension_numbers<[1], [0], [0], [1], [0, 0, 1, 1], [], []>, transpose_lhs_hint = false} : vector<800x40xf32>, vector<40x1xf32>, vector<800x1xf32> -> vector<800x1xf32>
    %get3A_190 = arith.constant 0 : index
    %get3A_191 = arith.constant 0 : index
    %get3A_192 = vector.load %arg28[%get3A_190, %get3A_191] : memref<1x1xf32, #tpu.memory_space<vmem>>, vector<1x1xf32>
    %add3A_193 = vector.broadcast %get3A_192 : vector<1x1xf32> to vector<800x1xf32>
    %add3A_194 = arith.addf %dot_general3A_189, %add3A_193 : vector<800x1xf32>
    %iota3A_195 = tpu.iota {dimensions = array<i32: 0>} : vector<800x1xi32>
    %jit3A_196 = arith.constant 50 : i32
    %eq3A_197 = arith.constant 0 : i32
    %eq3A_198 = arith.cmpi eq, %jit3A_196, %eq3A_197 : i32
    %jit3A_199 = arith.constant 1 : i32
    %select_n3A_200 = arith.select %eq3A_198, %jit3A_199, %jit3A_196 : i32
    %rem3A_201 = vector.broadcast %select_n3A_200 : i32 to vector<800x1xi32>
    %rem3A_202 = arith.remsi %iota3A_195, %rem3A_201 : vector<800x1xi32>
    %ne3A_203 = arith.constant 0 : i32
    %ne3A_204 = vector.broadcast %ne3A_203 : i32 to vector<800x1xi32>
    %ne3A_205 = arith.cmpi ne, %rem3A_202, %ne3A_204 : vector<800x1xi32>
    %lt3A = arith.constant 0 : i32
    %lt3A_206 = vector.broadcast %lt3A : i32 to vector<800x1xi32>
    %lt3A_207 = arith.cmpi slt, %rem3A_202, %lt3A_206 : vector<800x1xi32>
    %lt3A_208 = arith.constant 0 : i32
    %lt3A_209 = arith.cmpi slt, %select_n3A_200, %lt3A_208 : i32
    %ne3A_210 = vector.broadcast %lt3A_209 : i1 to vector<800x1xi1>
    %ne3A_211 = vector.broadcast %ne3A_210 : vector<800x1xi1> to vector<800x1xi1>
    %ne3A_212 = arith.xori %lt3A_207, %ne3A_211 : vector<800x1xi1>
    %and3A_213 = arith.andi %ne3A_212, %ne3A_205 : vector<800x1xi1>
    %add3A_214 = vector.broadcast %select_n3A_200 : i32 to vector<800x1xi32>
    %add3A_215 = arith.addi %rem3A_202, %add3A_214 : vector<800x1xi32>
    %select_n3A_216 = arith.select %and3A_213, %add3A_215, %rem3A_202 : vector<800x1xi1>, vector<800x1xi32>
    %convert_element_type3A_217 = arith.sitofp %select_n3A_216 : vector<800x1xi32> to vector<800x1xf32>
    %get3A_218 = arith.constant 0 : index
    %get3A_219 = arith.constant 0 : index
    %get3A_220 = vector.load %arg10[%get3A_218, %get3A_219] : memref<16x1xf32, #tpu.memory_space<vmem>>, vector<16x1xf32>
    %dot_general3A_221 = arith.constant dense<0.000000e+00> : vector<800x1xf32>
    %dot_general3A_222 = tpu.matmul %convert_element_type3A_64, %get3A_220, %dot_general3A_221 {dimension_numbers = #tpu.dot_dimension_numbers<[1], [0], [0], [1], [0, 0, 1, 1], [], []>, transpose_lhs_hint = false} : vector<800x16xf32>, vector<16x1xf32>, vector<800x1xf32> -> vector<800x1xf32>
    %lt3A_223 = arith.cmpf olt, %convert_element_type3A_217, %dot_general3A_222 : vector<800x1xf32>
    %jit3A_224 = arith.constant -1.000000e+09 : f32
    %broadcast_in_dim3A = vector.broadcast %jit3A_224 : f32 to vector<800x1xf32>
    %select_n3A_225 = arith.select %lt3A_223, %add3A_194, %broadcast_in_dim3A : vector<800x1xi1>, vector<800x1xf32>
    %reduce_max3A = vector.shape_cast %select_n3A_225 : vector<800x1xf32> to vector<1x800x1xf32>
    %reduce_max3A_226 = arith.constant dense<0xFF800000> : vector<1xf32>
    %reduce_max3A_227 = vector.multi_reduction <maximumf>, %reduce_max3A, %reduce_max3A_226 [1, 2] : vector<1x800x1xf32> to vector<1xf32>
    %reduce_max3A_228 = vector.shape_cast %reduce_max3A_227 : vector<1xf32> to vector<1x1x1xf32>
    %reduce_max3A_229 = vector.extract %reduce_max3A_228[0, 0, 0] : f32 from vector<1x1x1xf32>
    %sub3A_230 = vector.broadcast %reduce_max3A_229 : f32 to vector<800x1xf32>
    %sub3A_231 = arith.subf %select_n3A_225, %sub3A_230 : vector<800x1xf32>
    %exp3A = math.exp %sub3A_231 : vector<800x1xf32>
    %dot_general3A_232 = arith.constant dense<0.000000e+00> : vector<16x1xf32>
    %dot_general3A_233 = tpu.matmul %convert_element_type3A_100, %exp3A, %dot_general3A_232 {dimension_numbers = #tpu.dot_dimension_numbers<[1], [0], [0], [1], [0, 0, 1, 1], [], []>, transpose_lhs_hint = false} : vector<16x800xf32>, vector<800x1xf32>, vector<16x1xf32> -> vector<16x1xf32>
    %div3A_234 = arith.constant 1.000000e+00 : f32
    %div3A_235 = vector.broadcast %div3A_234 : f32 to vector<16x1xf32>
    %div3A_236 = arith.divf %div3A_235, %dot_general3A_233 : vector<16x1xf32>
    %mul3A_237 = vector.broadcast %exp3A : vector<800x1xf32> to vector<800x64xf32>
    %mul3A_238 = arith.mulf %mul3A_237, %get3A_36 : vector<800x64xf32>
    %dot_general3A_239 = arith.constant dense<0.000000e+00> : vector<16x64xf32>
    %dot_general3A_240 = tpu.matmul %convert_element_type3A_100, %mul3A_238, %dot_general3A_239 {dimension_numbers = #tpu.dot_dimension_numbers<[1], [0], [0], [1], [0, 0, 1, 1], [], []>, transpose_lhs_hint = false} : vector<16x800xf32>, vector<800x64xf32>, vector<16x64xf32> -> vector<16x64xf32>
    %mul3A_241 = vector.broadcast %div3A_236 : vector<16x1xf32> to vector<16x64xf32>
    %mul3A_242 = arith.mulf %dot_general3A_240, %mul3A_241 : vector<16x64xf32>
    %mul3A_243 = vector.broadcast %exp3A : vector<800x1xf32> to vector<800x64xf32>
    %mul3A_244 = arith.mulf %mul3A_243, %max3A_33 : vector<800x64xf32>
    %dot_general3A_245 = arith.constant dense<0.000000e+00> : vector<16x64xf32>
    %dot_general3A_246 = tpu.matmul %convert_element_type3A_100, %mul3A_244, %dot_general3A_245 {dimension_numbers = #tpu.dot_dimension_numbers<[1], [0], [0], [1], [0, 0, 1, 1], [], []>, transpose_lhs_hint = false} : vector<16x800xf32>, vector<800x64xf32>, vector<16x64xf32> -> vector<16x64xf32>
    %mul3A_247 = vector.broadcast %div3A_236 : vector<16x1xf32> to vector<16x64xf32>
    %mul3A_248 = arith.mulf %dot_general3A_246, %mul3A_247 : vector<16x64xf32>
    %mul3A_249 = vector.broadcast %exp3A : vector<800x1xf32> to vector<800x23xf32>
    %mul3A_250 = arith.mulf %mul3A_249, %get3A_39 : vector<800x23xf32>
    %dot_general3A_251 = arith.constant dense<0.000000e+00> : vector<16x23xf32>
    %dot_general3A_252 = tpu.matmul %convert_element_type3A_100, %mul3A_250, %dot_general3A_251 {dimension_numbers = #tpu.dot_dimension_numbers<[1], [0], [0], [1], [0, 0, 1, 1], [], []>, transpose_lhs_hint = false} : vector<16x800xf32>, vector<800x23xf32>, vector<16x23xf32> -> vector<16x23xf32>
    %mul3A_253 = vector.broadcast %div3A_236 : vector<16x1xf32> to vector<16x23xf32>
    %mul3A_254 = arith.mulf %dot_general3A_252, %mul3A_253 : vector<16x23xf32>
    %get3A_255 = arith.constant 0 : index
    %get3A_256 = arith.constant 0 : index
    %get3A_257 = vector.load %arg7[%get3A_255, %get3A_256] : memref<16x24xf32, #tpu.memory_space<vmem>>, vector<16x24xf32>
    %get3A_258 = arith.constant 0 : index
    %get3A_259 = arith.constant 0 : index
    %get3A_260 = vector.load %arg29[%get3A_258, %get3A_259] : memref<24x200xf32, #tpu.memory_space<vmem>>, vector<24x200xf32>
    %dot_general3A_261 = arith.constant dense<0.000000e+00> : vector<16x200xf32>
    %dot_general3A_262 = tpu.matmul %get3A_257, %get3A_260, %dot_general3A_261 {dimension_numbers = #tpu.dot_dimension_numbers<[1], [0], [0], [1], [0, 0, 1, 1], [], []>, transpose_lhs_hint = false} : vector<16x24xf32>, vector<24x200xf32>, vector<16x200xf32> -> vector<16x200xf32>
    %get3A_263 = arith.constant 0 : index
    %get3A_264 = arith.constant 0 : index
    %get3A_265 = vector.load %arg8[%get3A_263, %get3A_264] : memref<16x2xf32, #tpu.memory_space<vmem>>, vector<16x2xf32>
    %get3A_266 = arith.constant 0 : index
    %get3A_267 = arith.constant 0 : index
    %get3A_268 = vector.load %arg30[%get3A_266, %get3A_267] : memref<2x200xf32, #tpu.memory_space<vmem>>, vector<2x200xf32>
    %dot_general3A_269 = arith.constant dense<0.000000e+00> : vector<16x200xf32>
    %dot_general3A_270 = tpu.matmul %get3A_265, %get3A_268, %dot_general3A_269 {dimension_numbers = #tpu.dot_dimension_numbers<[1], [0], [0], [1], [0, 0, 1, 1], [], []>, transpose_lhs_hint = false} : vector<16x2xf32>, vector<2x200xf32>, vector<16x200xf32> -> vector<16x200xf32>
    %add3A_271 = arith.addf %dot_general3A_262, %dot_general3A_270 : vector<16x200xf32>
    %get3A_272 = arith.constant 0 : index
    %get3A_273 = arith.constant 0 : index
    %get3A_274 = vector.load %arg9[%get3A_272, %get3A_273] : memref<16x9xf32, #tpu.memory_space<vmem>>, vector<16x9xf32>
    %get3A_275 = arith.constant 0 : index
    %get3A_276 = arith.constant 0 : index
    %get3A_277 = vector.load %arg31[%get3A_275, %get3A_276] : memref<9x200xf32, #tpu.memory_space<vmem>>, vector<9x200xf32>
    %dot_general3A_278 = arith.constant dense<0.000000e+00> : vector<16x200xf32>
    %dot_general3A_279 = tpu.matmul %get3A_274, %get3A_277, %dot_general3A_278 {dimension_numbers = #tpu.dot_dimension_numbers<[1], [0], [0], [1], [0, 0, 1, 1], [], []>, transpose_lhs_hint = false} : vector<16x9xf32>, vector<9x200xf32>, vector<16x200xf32> -> vector<16x200xf32>
    %add3A_280 = arith.addf %add3A_271, %dot_general3A_279 : vector<16x200xf32>
    %get3A_281 = arith.constant 0 : index
    %get3A_282 = arith.constant 0 : index
    %get3A_283 = vector.load %arg32[%get3A_281, %get3A_282] : memref<64x200xf32, #tpu.memory_space<vmem>>, vector<64x200xf32>
    %dot_general3A_284 = arith.constant dense<0.000000e+00> : vector<16x200xf32>
    %dot_general3A_285 = tpu.matmul %get3A_14, %get3A_283, %dot_general3A_284 {dimension_numbers = #tpu.dot_dimension_numbers<[1], [0], [0], [1], [0, 0, 1, 1], [], []>, transpose_lhs_hint = false} : vector<16x64xf32>, vector<64x200xf32>, vector<16x200xf32> -> vector<16x200xf32>
    %add3A_286 = arith.addf %add3A_280, %dot_general3A_285 : vector<16x200xf32>
    %get3A_287 = arith.constant 0 : index
    %get3A_288 = arith.constant 0 : index
    %get3A_289 = vector.load %arg33[%get3A_287, %get3A_288] : memref<64x200xf32, #tpu.memory_space<vmem>>, vector<64x200xf32>
    %dot_general3A_290 = arith.constant dense<0.000000e+00> : vector<16x200xf32>
    %dot_general3A_291 = tpu.matmul %max3A_11, %get3A_289, %dot_general3A_290 {dimension_numbers = #tpu.dot_dimension_numbers<[1], [0], [0], [1], [0, 0, 1, 1], [], []>, transpose_lhs_hint = false} : vector<16x64xf32>, vector<64x200xf32>, vector<16x200xf32> -> vector<16x200xf32>
    %add3A_292 = arith.addf %add3A_286, %dot_general3A_291 : vector<16x200xf32>
    %get3A_293 = arith.constant 0 : index
    %get3A_294 = arith.constant 0 : index
    %get3A_295 = vector.load %arg34[%get3A_293, %get3A_294] : memref<23x200xf32, #tpu.memory_space<vmem>>, vector<23x200xf32>
    %dot_general3A_296 = arith.constant dense<0.000000e+00> : vector<16x200xf32>
    %dot_general3A_297 = tpu.matmul %get3A_17, %get3A_295, %dot_general3A_296 {dimension_numbers = #tpu.dot_dimension_numbers<[1], [0], [0], [1], [0, 0, 1, 1], [], []>, transpose_lhs_hint = false} : vector<16x23xf32>, vector<23x200xf32>, vector<16x200xf32> -> vector<16x200xf32>
    %add3A_298 = arith.addf %add3A_292, %dot_general3A_297 : vector<16x200xf32>
    %get3A_299 = arith.constant 0 : index
    %get3A_300 = arith.constant 0 : index
    %get3A_301 = vector.load %arg35[%get3A_299, %get3A_300] : memref<64x200xf32, #tpu.memory_space<vmem>>, vector<64x200xf32>
    %dot_general3A_302 = arith.constant dense<0.000000e+00> : vector<16x200xf32>
    %dot_general3A_303 = tpu.matmul %mul3A_242, %get3A_301, %dot_general3A_302 {dimension_numbers = #tpu.dot_dimension_numbers<[1], [0], [0], [1], [0, 0, 1, 1], [], []>, transpose_lhs_hint = false} : vector<16x64xf32>, vector<64x200xf32>, vector<16x200xf32> -> vector<16x200xf32>
    %add3A_304 = arith.addf %add3A_298, %dot_general3A_303 : vector<16x200xf32>
    %get3A_305 = arith.constant 0 : index
    %get3A_306 = arith.constant 0 : index
    %get3A_307 = vector.load %arg36[%get3A_305, %get3A_306] : memref<64x200xf32, #tpu.memory_space<vmem>>, vector<64x200xf32>
    %dot_general3A_308 = arith.constant dense<0.000000e+00> : vector<16x200xf32>
    %dot_general3A_309 = tpu.matmul %mul3A_248, %get3A_307, %dot_general3A_308 {dimension_numbers = #tpu.dot_dimension_numbers<[1], [0], [0], [1], [0, 0, 1, 1], [], []>, transpose_lhs_hint = false} : vector<16x64xf32>, vector<64x200xf32>, vector<16x200xf32> -> vector<16x200xf32>
    %add3A_310 = arith.addf %add3A_304, %dot_general3A_309 : vector<16x200xf32>
    %get3A_311 = arith.constant 0 : index
    %get3A_312 = arith.constant 0 : index
    %get3A_313 = vector.load %arg37[%get3A_311, %get3A_312] : memref<23x200xf32, #tpu.memory_space<vmem>>, vector<23x200xf32>
    %dot_general3A_314 = arith.constant dense<0.000000e+00> : vector<16x200xf32>
    %dot_general3A_315 = tpu.matmul %mul3A_254, %get3A_313, %dot_general3A_314 {dimension_numbers = #tpu.dot_dimension_numbers<[1], [0], [0], [1], [0, 0, 1, 1], [], []>, transpose_lhs_hint = false} : vector<16x23xf32>, vector<23x200xf32>, vector<16x200xf32> -> vector<16x200xf32>
    %add3A_316 = arith.addf %add3A_310, %dot_general3A_315 : vector<16x200xf32>
    %get3A_317 = arith.constant 0 : index
    %get3A_318 = arith.constant 0 : index
    %get3A_319 = vector.load %arg38[%get3A_317, %get3A_318] : memref<1x200xf32, #tpu.memory_space<vmem>>, vector<1x200xf32>
    %add3A_320 = vector.broadcast %get3A_319 : vector<1x200xf32> to vector<16x200xf32>
    %add3A_321 = arith.addf %add3A_316, %add3A_320 : vector<16x200xf32>
    %max3A_322 = arith.constant 0.000000e+00 : f32
    %max3A_323 = vector.broadcast %max3A_322 : f32 to vector<16x200xf32>
    %max3A_324 = arith.maximumf %add3A_321, %max3A_323 : vector<16x200xf32>
    %get3A_325 = arith.constant 0 : index
    %get3A_326 = arith.constant 0 : index
    %get3A_327 = vector.load %arg39[%get3A_325, %get3A_326] : memref<200x80xf32, #tpu.memory_space<vmem>>, vector<200x80xf32>
    %dot_general3A_328 = arith.constant dense<0.000000e+00> : vector<16x80xf32>
    %dot_general3A_329 = tpu.matmul %max3A_324, %get3A_327, %dot_general3A_328 {dimension_numbers = #tpu.dot_dimension_numbers<[1], [0], [0], [1], [0, 0, 1, 1], [], []>, transpose_lhs_hint = false} : vector<16x200xf32>, vector<200x80xf32>, vector<16x80xf32> -> vector<16x80xf32>
    %get3A_330 = arith.constant 0 : index
    %get3A_331 = arith.constant 0 : index
    %get3A_332 = vector.load %arg40[%get3A_330, %get3A_331] : memref<1x80xf32, #tpu.memory_space<vmem>>, vector<1x80xf32>
    %add3A_333 = vector.broadcast %get3A_332 : vector<1x80xf32> to vector<16x80xf32>
    %add3A_334 = arith.addf %dot_general3A_329, %add3A_333 : vector<16x80xf32>
    %max3A_335 = arith.constant 0.000000e+00 : f32
    %max3A_336 = vector.broadcast %max3A_335 : f32 to vector<16x80xf32>
    %max3A_337 = arith.maximumf %add3A_334, %max3A_336 : vector<16x80xf32>
    %get3A_338 = arith.constant 0 : index
    %get3A_339 = arith.constant 0 : index
    %get3A_340 = vector.load %arg41[%get3A_338, %get3A_339] : memref<80x1xf32, #tpu.memory_space<vmem>>, vector<80x1xf32>
    %dot_general3A_341 = arith.constant dense<0.000000e+00> : vector<16x1xf32>
    %dot_general3A_342 = tpu.matmul %max3A_337, %get3A_340, %dot_general3A_341 {dimension_numbers = #tpu.dot_dimension_numbers<[1], [0], [0], [1], [0, 0, 1, 1], [], []>, transpose_lhs_hint = false} : vector<16x80xf32>, vector<80x1xf32>, vector<16x1xf32> -> vector<16x1xf32>
    %logistic3A = arith.negf %dot_general3A_342 : vector<16x1xf32>
    %logistic3A_343 = math.exp %logistic3A : vector<16x1xf32>
    %logistic3A_344 = arith.constant 1.000000e+00 : f32
    %logistic3A_345 = vector.broadcast %logistic3A_344 : f32 to vector<16x1xf32>
    %logistic3A_346 = arith.addf %logistic3A_345, %logistic3A_343 : vector<16x1xf32>
    %logistic3A_347 = arith.divf %logistic3A_345, %logistic3A_346 : vector<16x1xf32>
    %swap3A = arith.constant 0 : index
    %swap3A_348 = arith.constant 0 : index
    %swap3A_349 = vector.load %arg42[%swap3A, %swap3A_348] : memref<16x1xf32, #tpu.memory_space<vmem>>, vector<16x1xf32>
    tpu.vector_store %arg42[%swap3A, %swap3A_348], %logistic3A_347 {strides = array<i32>} : memref<16x1xf32, #tpu.memory_space<vmem>>, vector<16x1xf32>,
    return
  }
  func.func @transform_0(%arg0: i32) -> (i32, i32) {
    %c0_i32 = arith.constant 0 : i32
    %c0_i32_0 = arith.constant 0 : i32
    return %arg0, %c0_i32 : i32, i32
  }
  func.func @transform_1(%arg0: i32) -> (i32, i32) {
    %c0_i32 = arith.constant 0 : i32
    %c0_i32_0 = arith.constant 0 : i32
    return %arg0, %c0_i32 : i32, i32
  }
  func.func @transform_2(%arg0: i32) -> (i32, i32) {
    %c0_i32 = arith.constant 0 : i32
    %c0_i32_0 = arith.constant 0 : i32
    return %arg0, %c0_i32 : i32, i32
  }
  func.func @transform_3(%arg0: i32) -> (i32, i32) {
    %c0_i32 = arith.constant 0 : i32
    %c0_i32_0 = arith.constant 0 : i32
    return %arg0, %c0_i32 : i32, i32
  }
  func.func @transform_4(%arg0: i32) -> (i32, i32) {
    %c0_i32 = arith.constant 0 : i32
    %c0_i32_0 = arith.constant 0 : i32
    return %arg0, %c0_i32 : i32, i32
  }
  func.func @transform_5(%arg0: i32) -> (i32, i32) {
    %c0_i32 = arith.constant 0 : i32
    %c0_i32_0 = arith.constant 0 : i32
    return %arg0, %c0_i32 : i32, i32
  }
  func.func @transform_6(%arg0: i32) -> (i32, i32) {
    %c0_i32 = arith.constant 0 : i32
    %c0_i32_0 = arith.constant 0 : i32
    return %arg0, %c0_i32 : i32, i32
  }
  func.func @transform_7(%arg0: i32) -> (i32, i32) {
    %c0_i32 = arith.constant 0 : i32
    %c0_i32_0 = arith.constant 0 : i32
    return %arg0, %c0_i32 : i32, i32
  }
  func.func @transform_8(%arg0: i32) -> (i32, i32) {
    %c0_i32 = arith.constant 0 : i32
    %c0_i32_0 = arith.constant 0 : i32
    return %arg0, %c0_i32 : i32, i32
  }
  func.func @transform_9(%arg0: i32) -> (i32, i32) {
    %c0_i32 = arith.constant 0 : i32
    %c0_i32_0 = arith.constant 0 : i32
    return %arg0, %c0_i32 : i32, i32
  }
  func.func @transform_10(%arg0: i32) -> (i32, i32) {
    %c0_i32 = arith.constant 0 : i32
    %c0_i32_0 = arith.constant 0 : i32
    %c0_i32_1 = arith.constant 0 : i32
    return %c0_i32, %c0_i32_0 : i32, i32
  }
  func.func @transform_11(%arg0: i32) -> (i32, i32) {
    %c0_i32 = arith.constant 0 : i32
    %c0_i32_0 = arith.constant 0 : i32
    %c0_i32_1 = arith.constant 0 : i32
    return %c0_i32, %c0_i32_0 : i32, i32
  }
  func.func @transform_12(%arg0: i32) -> (i32, i32) {
    %c0_i32 = arith.constant 0 : i32
    %c0_i32_0 = arith.constant 0 : i32
    %c0_i32_1 = arith.constant 0 : i32
    return %c0_i32, %c0_i32_0 : i32, i32
  }
  func.func @transform_13(%arg0: i32) -> (i32, i32) {
    %c0_i32 = arith.constant 0 : i32
    %c0_i32_0 = arith.constant 0 : i32
    %c0_i32_1 = arith.constant 0 : i32
    return %c0_i32, %c0_i32_0 : i32, i32
  }
  func.func @transform_14(%arg0: i32) -> (i32, i32) {
    %c0_i32 = arith.constant 0 : i32
    %c0_i32_0 = arith.constant 0 : i32
    %c0_i32_1 = arith.constant 0 : i32
    return %c0_i32, %c0_i32_0 : i32, i32
  }
  func.func @transform_15(%arg0: i32) -> (i32, i32) {
    %c0_i32 = arith.constant 0 : i32
    %c0_i32_0 = arith.constant 0 : i32
    %c0_i32_1 = arith.constant 0 : i32
    return %c0_i32, %c0_i32_0 : i32, i32
  }
  func.func @transform_16(%arg0: i32) -> (i32, i32) {
    %c0_i32 = arith.constant 0 : i32
    %c0_i32_0 = arith.constant 0 : i32
    %c0_i32_1 = arith.constant 0 : i32
    return %c0_i32, %c0_i32_0 : i32, i32
  }
  func.func @transform_17(%arg0: i32) -> (i32, i32) {
    %c0_i32 = arith.constant 0 : i32
    %c0_i32_0 = arith.constant 0 : i32
    %c0_i32_1 = arith.constant 0 : i32
    return %c0_i32, %c0_i32_0 : i32, i32
  }
  func.func @transform_18(%arg0: i32) -> (i32, i32) {
    %c0_i32 = arith.constant 0 : i32
    %c0_i32_0 = arith.constant 0 : i32
    %c0_i32_1 = arith.constant 0 : i32
    return %c0_i32, %c0_i32_0 : i32, i32
  }
  func.func @transform_19(%arg0: i32) -> (i32, i32) {
    %c0_i32 = arith.constant 0 : i32
    %c0_i32_0 = arith.constant 0 : i32
    %c0_i32_1 = arith.constant 0 : i32
    return %c0_i32, %c0_i32_0 : i32, i32
  }
  func.func @transform_20(%arg0: i32) -> (i32, i32) {
    %c0_i32 = arith.constant 0 : i32
    %c0_i32_0 = arith.constant 0 : i32
    %c0_i32_1 = arith.constant 0 : i32
    return %c0_i32, %c0_i32_0 : i32, i32
  }
  func.func @transform_21(%arg0: i32) -> (i32, i32) {
    %c0_i32 = arith.constant 0 : i32
    %c0_i32_0 = arith.constant 0 : i32
    %c0_i32_1 = arith.constant 0 : i32
    return %c0_i32, %c0_i32_0 : i32, i32
  }
  func.func @transform_22(%arg0: i32) -> (i32, i32) {
    %c0_i32 = arith.constant 0 : i32
    %c0_i32_0 = arith.constant 0 : i32
    %c0_i32_1 = arith.constant 0 : i32
    return %c0_i32, %c0_i32_0 : i32, i32
  }
  func.func @transform_23(%arg0: i32) -> (i32, i32) {
    %c0_i32 = arith.constant 0 : i32
    %c0_i32_0 = arith.constant 0 : i32
    %c0_i32_1 = arith.constant 0 : i32
    return %c0_i32, %c0_i32_0 : i32, i32
  }
  func.func @transform_24(%arg0: i32) -> (i32, i32) {
    %c0_i32 = arith.constant 0 : i32
    %c0_i32_0 = arith.constant 0 : i32
    %c0_i32_1 = arith.constant 0 : i32
    return %c0_i32, %c0_i32_0 : i32, i32
  }
  func.func @transform_25(%arg0: i32) -> (i32, i32) {
    %c0_i32 = arith.constant 0 : i32
    %c0_i32_0 = arith.constant 0 : i32
    %c0_i32_1 = arith.constant 0 : i32
    return %c0_i32, %c0_i32_0 : i32, i32
  }
  func.func @transform_26(%arg0: i32) -> (i32, i32) {
    %c0_i32 = arith.constant 0 : i32
    %c0_i32_0 = arith.constant 0 : i32
    %c0_i32_1 = arith.constant 0 : i32
    return %c0_i32, %c0_i32_0 : i32, i32
  }
  func.func @transform_27(%arg0: i32) -> (i32, i32) {
    %c0_i32 = arith.constant 0 : i32
    %c0_i32_0 = arith.constant 0 : i32
    %c0_i32_1 = arith.constant 0 : i32
    return %c0_i32, %c0_i32_0 : i32, i32
  }
  func.func @transform_28(%arg0: i32) -> (i32, i32) {
    %c0_i32 = arith.constant 0 : i32
    %c0_i32_0 = arith.constant 0 : i32
    %c0_i32_1 = arith.constant 0 : i32
    return %c0_i32, %c0_i32_0 : i32, i32
  }
  func.func @transform_29(%arg0: i32) -> (i32, i32) {
    %c0_i32 = arith.constant 0 : i32
    %c0_i32_0 = arith.constant 0 : i32
    %c0_i32_1 = arith.constant 0 : i32
    return %c0_i32, %c0_i32_0 : i32, i32
  }
  func.func @transform_30(%arg0: i32) -> (i32, i32) {
    %c0_i32 = arith.constant 0 : i32
    %c0_i32_0 = arith.constant 0 : i32
    %c0_i32_1 = arith.constant 0 : i32
    return %c0_i32, %c0_i32_0 : i32, i32
  }
  func.func @transform_31(%arg0: i32) -> (i32, i32) {
    %c0_i32 = arith.constant 0 : i32
    %c0_i32_0 = arith.constant 0 : i32
    %c0_i32_1 = arith.constant 0 : i32
    return %c0_i32, %c0_i32_0 : i32, i32
  }
  func.func @transform_32(%arg0: i32) -> (i32, i32) {
    %c0_i32 = arith.constant 0 : i32
    %c0_i32_0 = arith.constant 0 : i32
    %c0_i32_1 = arith.constant 0 : i32
    return %c0_i32, %c0_i32_0 : i32, i32
  }
  func.func @transform_33(%arg0: i32) -> (i32, i32) {
    %c0_i32 = arith.constant 0 : i32
    %c0_i32_0 = arith.constant 0 : i32
    %c0_i32_1 = arith.constant 0 : i32
    return %c0_i32, %c0_i32_0 : i32, i32
  }
  func.func @transform_34(%arg0: i32) -> (i32, i32) {
    %c0_i32 = arith.constant 0 : i32
    %c0_i32_0 = arith.constant 0 : i32
    %c0_i32_1 = arith.constant 0 : i32
    return %c0_i32, %c0_i32_0 : i32, i32
  }
  func.func @transform_35(%arg0: i32) -> (i32, i32) {
    %c0_i32 = arith.constant 0 : i32
    %c0_i32_0 = arith.constant 0 : i32
    %c0_i32_1 = arith.constant 0 : i32
    return %c0_i32, %c0_i32_0 : i32, i32
  }
  func.func @transform_36(%arg0: i32) -> (i32, i32) {
    %c0_i32 = arith.constant 0 : i32
    %c0_i32_0 = arith.constant 0 : i32
    %c0_i32_1 = arith.constant 0 : i32
    return %c0_i32, %c0_i32_0 : i32, i32
  }
  func.func @transform_37(%arg0: i32) -> (i32, i32) {
    %c0_i32 = arith.constant 0 : i32
    %c0_i32_0 = arith.constant 0 : i32
    %c0_i32_1 = arith.constant 0 : i32
    return %c0_i32, %c0_i32_0 : i32, i32
  }
  func.func @transform_38(%arg0: i32) -> (i32, i32) {
    %c0_i32 = arith.constant 0 : i32
    %c0_i32_0 = arith.constant 0 : i32
    %c0_i32_1 = arith.constant 0 : i32
    return %c0_i32, %c0_i32_0 : i32, i32
  }
  func.func @transform_39(%arg0: i32) -> (i32, i32) {
    %c0_i32 = arith.constant 0 : i32
    %c0_i32_0 = arith.constant 0 : i32
    %c0_i32_1 = arith.constant 0 : i32
    return %c0_i32, %c0_i32_0 : i32, i32
  }
  func.func @transform_40(%arg0: i32) -> (i32, i32) {
    %c0_i32 = arith.constant 0 : i32
    %c0_i32_0 = arith.constant 0 : i32
    %c0_i32_1 = arith.constant 0 : i32
    return %c0_i32, %c0_i32_0 : i32, i32
  }
  func.func @transform_41(%arg0: i32) -> (i32, i32) {
    %c0_i32 = arith.constant 0 : i32
    %c0_i32_0 = arith.constant 0 : i32
    return %arg0, %c0_i32 : i32, i32
  }
}

</mosaic_0001>

<sc_bundles>
// kernel: kernel.4.cloned.1.call-start
scs
__scs_entry_jumppad:
0x0: {  	(pc) =	sbr.rel $0x88, $3  }
0x1: {  	(tag) =	ssettag $0x0;
	lr =	simm.s32 $0x1  }
0x2: {  	[smem:$0x3F86] =	sst lr;
	_ =	strace $0xD0000000  }
0x3: {  	_ = 	snop  }
0x4: {  	_ = 	snop  }
0x5: {  	_ = 	snop  }
0x6: {  	_ = 	snop  }
0x7: {  	_ = 	snop  }
__scs_overlays_trampoline_lowered:
0x8: {  	[smem:$0x3F95] =	sst s0  }
0x9: {  	[smem:$0x3F96] =	sst s1  }
0xa: {  	[smem:$0x3F97] =	sst s2  }
0xb: {  	[smem:$0x3F98] =	sst s3  }
0xc: {  	[smem:$0x3F99] =	sst s4  }
0xd: {  	[smem:$0x3F9A] =	sst s5  }
0xe: {  	[smem:$0x3F9B] =	sst s6  }
0xf: {  	[smem:$0x3F9C] =	sst s7  }
0x10: {  	[smem:$0x3F9D] =	sst s8  }
0x11: {  	[smem:$0x3F9E] =	sst s9;
	s0 =	simm.s32 @!p0 $0x0  }
0x12: {  	s1 =	sld [smem:$0x3F84];
	s0 =	simm.s32 @p0 $0x1  }
0x13: {  	[smem:$0x3F9F] =	sst s0;
	s0 =	simm.s32 @!p1 $0x0  }
0x14: {  	s2 =	sld [smem:$0x3F83];
	s0 =	simm.s32 @p1 $0x1  }
0x15: {  	[smem:$0x3FA0] =	sst s0;
	s0 =	simm.s32 @!p2 $0x0  }
0x16: {  	s3 =	sld [smem:$0x3FDB];
	s0 =	simm.s32 @p2 $0x1  }
0x17: {  	s4 =	simm.s32 $0x1BF5;
	[smem:$0x3FA2] =	sst s0  }
0x18: {  	s0 =	sld [smem:$0x3F85];
	_ =	swait.ge [sflag:s4], $0x0  }
0x19: {  	s7 =	sld [smem:$0x3F86]  }
0x1a: {  	s8 =	sadd.s32 $0xFFFFE003, lr  }
0x1b: {  	s9 =	sadd.s32 $0xFFFFFEF7, lr;
	s5 =	simm.s32 $0xFFFFFFFF;
	p2 =	slt.u32 s8, $0xFFFFF086  }
0x1c: {  	p1 =	slt.u32 s9, $0xF7A;
	s5 =	simm.s32 @!p2 $0x0  }
0x1d: {  	s5 =	simm.s32 @p1 $0x1;
	p0 =	seq.s32 s7, s2  }
0x1e: {  	s7 =	smul.u32 @!p0 $0xF7A, s2;
	p2 =	seq.s32 @!p0 s5, $0x0  }
0x1f: {  	s9 =	smul.u32 $0xF7A, s1;
	s8 =	simm.s32 @!p0 $0x1BF5;
	p2 =	por !p2, p0  }
0x20: {  	[sflag:s8] =	ssyncset.s32 @!p0 $0xFFFFF086;
	s6 =	sadd.s32 @!p0 s3, s7;
	s7 =	simm.s32 @!p0 $0x108  }
0x21: {  	s3 =	sadd.s32 s3, s9;
	s6 =	sadd.s32 @!p0 $0x88, s6;
	s7 =	simm.s32 @p2 $0x1082  }
0x22: {  	[simem:s7], [sflag:s8] =	dma.local @!p0 [hbm:s6], $0xF7A  }
0x23: {  	s9 =	sor.u32 $0xD0000000, s2;
	s6 =	simm.s32 $0x108;
	_ =	swait.ge @!p0 [sflag:s8], $0x0  }
0x24: {  	s3 =	sadd.s32 $0x88, s3;
	s6 =	simm.s32 @!p1 $0x1082;
	[sflag:s4] =	ssyncset.s32 $0xFFFFF086  }
0x25: {  	[simem:s6], [sflag:s4] =	dma.local [hbm:s3], $0xF7A  }
0x26: {  	[smem:$0x3F86] =	sst s1;
	(tag) =	ssettag s2;
	_ =	strace s9  }
0x27: {  	s1 =	sld [smem:$0x3F96]  }
0x28: {  	s2 =	sld [smem:$0x3F97]  }
0x29: {  	s4 =	sld [smem:$0x3F99]  }
0x2a: {  	p0 =	seq.s32 s5, $0x0;
	s5 =	sld [smem:$0x3F9A]  }
0x2b: {  	s6 =	sld [smem:$0x3F9B]  }
0x2c: {  	s7 =	sld [smem:$0x3F9C]  }
0x2d: {  	s3 =	simm.s32 $0x108;
	s8 =	sld [smem:$0x3F9D]  }
0x2e: {  	s3 =	simm.s32 @!p0 $0x1082;
	s9 =	sld [smem:$0x3F9E]  }
0x2f: {  	lr =	sadd.s32 s0, s3;
	s0 =	sld [smem:$0x3F95]  }
0x30: {  	s3 =	sld [smem:$0x3F98]  }
0x31: {  	[smem:$0x3FA1] =	sst s10  }
0x32: {  	s10 =	sld [smem:$0x3F9F];
	_ =	sdelay $0x3  }
0x33: {  	p0 =	seq.s32 s10, $0x1;
	s10 =	sld [smem:$0x3FA1];
	_ =	sdelay $0x3  }
0x34: {  	[smem:$0x3FA1] =	sst s10  }
0x35: {  	s10 =	sld [smem:$0x3FA0];
	_ =	sdelay $0x3  }
0x36: {  	p1 =	seq.s32 s10, $0x1;
	s10 =	sld [smem:$0x3FA1];
	_ =	sdelay $0x3  }
0x37: {  	[smem:$0x3FA1] =	sst s10  }
0x38: {  	s10 =	sld [smem:$0x3FA2]  }
0x39: {  	_ = 	snop;
	(pc) =	sbr.ind lr, $3  }
0x3a: {  	_ = 	snop  }
0x3b: {  	_ = 	snop  }
0x3c: {  	p2 =	seq.s32 s10, $0x1;
	s10 =	sld [smem:$0x3FA1]  }
0x3d: {  	_ =	shalt  }
0x3e: {  	_ =	shalt  }
0x3f: {  	_ =	shalt  }
0x40: {  	_ =	shalt  }
0x41: {  	_ =	shalt  }
0x42: {  	_ =	shalt  }
0x43: {  	_ =	shalt  }
0x44: {  	_ =	shalt  }
0x45: {  	_ =	shalt  }
0x46: {  	_ =	shalt  }
0x47: {  	_ =	shalt  }
0x48: {  	_ =	shalt  }
0x49: {  	_ =	shalt  }
0x4a: {  	_ =	shalt  }
0x4b: {  	_ =	shalt  }
0x4c: {  	_ =	shalt  }
0x4d: {  	_ =	shalt  }
0x4e: {  	_ =	shalt  }
0x4f: {  	_ =	shalt  }
0x50: {  	_ =	shalt  }
0x51: {  	_ =	shalt  }
0x52: {  	_ =	shalt  }
0x53: {  	_ =	shalt  }
0x54: {  	_ =	shalt  }
0x55: {  	_ =	shalt  }
0x56: {  	_ =	shalt  }
0x57: {  	_ =	shalt  }
0x58: {  	_ =	shalt  }
0x59: {  	_ =	shalt  }
0x5a: {  	_ =	shalt  }
0x5b: {  	_ =	shalt  }
0x5c: {  	_ =	shalt  }
0x5d: {  	_ =	shalt  }
0x5e: {  	_ =	shalt  }
0x5f: {  	_ =	shalt  }
0x60: {  	_ =	shalt  }
0x61: {  	_ =	shalt  }
0x62: {  	_ =	shalt  }
0x63: {  	_ =	shalt  }
0x64: {  	_ =	shalt  }
0x65: {  	_ =	shalt  }
0x66: {  	_ =	shalt  }
0x67: {  	_ =	shalt  }
0x68: {  	_ =	shalt  }
0x69: {  	_ =	shalt  }
0x6a: {  	_ =	shalt  }
0x6b: {  	_ =	shalt  }
0x6c: {  	_ =	shalt  }
0x6d: {  	_ =	shalt  }
0x6e: {  	_ =	shalt  }
0x6f: {  	_ =	shalt  }
0x70: {  	_ =	shalt  }
0x71: {  	_ =	shalt  }
0x72: {  	_ =	shalt  }
0x73: {  	_ =	shalt  }
0x74: {  	_ =	shalt  }
0x75: {  	_ =	shalt  }
0x76: {  	_ =	shalt  }
0x77: {  	_ =	shalt  }
0x78: {  	_ =	shalt  }
0x79: {  	_ =	shalt  }
0x7a: {  	_ =	shalt  }
0x7b: {  	_ =	shalt  }
0x7c: {  	_ =	shalt  }
0x7d: {  	_ =	shalt  }
0x7e: {  	_ =	shalt  }
0x7f: {  	_ =	shalt  }
0x80: {  	_ =	shalt  }
0x81: {  	_ =	shalt  }
0x82: {  	_ =	shalt  }
0x83: {  	_ =	shalt  }
0x84: {  	_ =	shalt  }
0x85: {  	_ =	shalt  }
0x86: {  	_ =	shalt  }
0x87: {  	_ =	shalt  }
.Lfunc_end0:
.L_simem_size_0:
called_computation_lowered:
.L_overlay_start_0:
0x88: {  	s2 =	sld [smem:$0x3FD9]  }
0x89: {  	s3 =	sld [smem:$0x3FFE];
	_ =	sdelay $0x1  }
0x8a: {  	s1 =	srdreg.scid  }
0x8b: {  	s0 =	sand.u32 $0x1, s1  }
0x8c: {  	s17 =	sshll.u32 s0, $0xA;
	s2 =	sadd.s32 s3, s2  }
0x8d: {  	s2 =	sadd.s32 s2, s17  }
0x8e: {  	[smem:$0x3FAD] =	sst s2  }
0x8f: {  	_ = 	snop  }
0x90: {  	s2 =	sld [smem:$0x3FC6];
	(tm) =	ssettm $0x1  }
0x91: {  	s18 =	sld [smem:$0x3FFB];
	_ =	sdelay $0x3  }
0x92: {  	_ =	strace s18  }
0x93: {  	s3 =	sld [smem:$0x3FFC];
	_ =	sdelay $0x3  }
0x94: {  	_ =	strace s3  }
0x95: {  	s3 =	sld [smem:$0x3FFD];
	_ =	sdelay $0x3  }
0x96: {  	_ =	strace s3  }
0x97: {  	_ =	strace $0x8FFFFFFF  }
0x98: {  	s19 =	sld [smem:$0x3FDB];
	_ =	sdelay $0x1  }
0x99: {  	s4 =	simm.s32 $_scs_section_size  }
0x9a: {  	s5 =	simm.s32 $_size__tile_overlayer_lowered;
	s6 =	simm.s32 $_tile_overlayer_lowered  }
0x9b: {  	s22 =	simm.s32 $0x1BFF;
	s21 =	sshll.u32 s6, $0x1;
	s3 =	sadd.s32 s4, s19  }
0x9c: {  	s7 =	simm.s32 $0x0;
	s20 =	sshll.u32 s5, $0x1;
	s5 =	sadd.s32 s21, s3  }
0x9d: {  	[timem:s7], [sflag:s22] =	dma.local [hbm:s5], s20  }
0x9e: {  	_ =	swait.ge [sflag:s22], s20  }
0x9f: {  	s4 =	ssub.s32 $0x0, s20;
	[sflag:s22] =	ssyncset.done $0x0  }
0xa0: {  	[sflag:s22] =	ssyncadd.s32 s4;
	_ =	sdelay $0x1  }
0xa1: {  	s23 =	simm.s32 $0x1B8B  }
0xa2: {  	_ =	swait.ge [sflag:s23], $0x1  }
0xa3: {  	[sflag:s23] =	ssyncset.done $0x0  }
0xa4: {  	s25 =	simm.s32 $0x1B8E;
	s24 =	sld [smem:$0x3FFE];
	[sflag:s23] =	ssyncadd.s32 $0xFFFFFFFF  }
0xa5: {  	s26 =	simm.s32 $execute0_lowered;
	[smem:$0x3FD2] =	sst s25  }
0xa6: {  	s5 =	sshll.u32 s26, $0x1;
	_ =	strace $0x80000046;
	[dreg:$0x1] =	wrdreg $0xFFFFFFFF  }
0xa7: {  	s28 =	simm.s32 $_size_execute0_lowered;
	s3 =	sadd.s32 s3, s5;
	[dreg:$0x0] =	wrdreg $0x0  }
0xa8: {  	s5 =	sshll.u32 s28, $0x1;
	[dreg:$0x2] =	wrdreg s3  }
0xa9: {  	[dreg:$0x3] =	wrdreg s5  }
0xaa: {  	[dreg:$0x4] =	wrdreg $0xC0  }
0xab: {  	_ =	task [dreg:s7], $0x5FFFF  }
0xac: {  	[dreg:$0x1] =	wrdreg $0xFFFFFFFF  }
0xad: {  	[dreg:$0x0] =	wrdreg $0x60  }
0xae: {  	[dreg:$0x2] =	wrdreg s24  }
0xaf: {  	[dreg:$0x3] =	wrdreg s2  }
0xb0: {  	[dreg:$0x4] =	wrdreg $0x9  }
0xb1: {  	_ =	task.clear_ibuf [dreg:s7], $0x5FFFF;
	_ =	strace $0x90000046  }
0xb2: {  	s29 =	simm.s32 $0x9;
	_ =	strace $0x80000048  }
0xb3: {  	_ =	swait.ge [sflag:s29], $0x1  }
0xb4: {  	[sflag:s29] =	ssyncadd.s32 $0xFFFFFFFF  }
0xb5: {  	_ =	strace $0x90000048  }
0xb6: {  	_ =	sfence  }
0xb7: {  	s30 =	sld [smem:$0x0];
	_ =	sdelay $0x2  }
0xb8: {  	s31 =	sshll.u32 s1, $0xD;
	s1 =	sshrl.u32 s1, $0x2  }
0xb9: {  	s3 =	sand.u32 $0x4000, s31;
	s1 =	sadd.s32 s1, s30  }
0xba: {  	s0 =	sor.u32 s3, s0;
	s1 =	sshll.u32 s1, $0x11  }
0xbb: {  	s0 =	sor.u32 s1, s0  }
0xbc: {  	s0 =	sadd.s32 $0x8F2B, s0  }
0xbd: {  	[sflag:s0] =	ssyncadd.remote.s32 $0x1  }
0xbe: {  	_ =	sfence.sel $0xFFFF  }
0xbf: {  	[dreg:$0x0] =	wrdreg $0xFFFFFFFF;
	(pc) =	sbr.abs _section_cstart, $3  }
0xc0: {  	[dreg:$0x1] =	wrdreg $0xFFFFFFFF  }
0xc1: {  	_ =	task.clear_ibuf [dreg:s7], $0x2FFFF;
	_ =	strace $0x9FFFFFFF  }
0xc2: {  	(tm) =	ssettm $0x7FFFFFFF  }
0xc3: {  	_ =	shalt  }
tec
execute0_lowered:
.L_overlay_start_1:
0x0: {  	(tag) =	ssettag $0x1  }
0x1: {  	s5 =	rddreg [dreg:$0x0]  }
0x2: {  	s3 =	rddreg [dreg:$0x1];
	s2 =	simm.s32 $0x0  }
0x3: {  	[smem:$0x7FF] =	sst s2;
	s7 =	sadd.s32 $0x70400, s5  }
0x4: {  	s9 =	simm.s32 $0x2E40;
	_ =	strace $0x80000047;
	[dreg:$0x3] =	wrdreg s7  }
0x5: {  	s10 =	simm.s32 $0xF0;
	[dreg:$0xa] =	wrdreg s9  }
0x6: {  	s11 =	simm.s32 $0x4240;
	[dreg:$0xb] =	wrdreg s10  }
0x7: {  	s12 =	simm.s32 $0x140;
	[dreg:$0xc] =	wrdreg s11  }
0x8: {  	s13 =	simm.s32 $0x5640;
	[dreg:$0xd] =	wrdreg s12  }
0x9: {  	s14 =	simm.s32 $0x190;
	[dreg:$0xe] =	wrdreg s13  }
0xa: {  	s15 =	simm.s32 $0x6A40;
	[dreg:$0xf] =	wrdreg s14  }
0xb: {  	s16 =	simm.s32 $0x1E0;
	[dreg:$0x10] =	wrdreg s15  }
0xc: {  	s1 =	srdreg.scid;
	s17 =	simm.s32 $0x7E40;
	[dreg:$0x11] =	wrdreg s16  }
0xd: {  	s0 =	stileid.u32;
	s18 =	simm.s32 $0x230;
	[dreg:$0x12] =	wrdreg s17  }
0xe: {  	s19 =	simm.s32 $0x9240;
	s20 =	simm.s32 $0x280;
	[dreg:$0x13] =	wrdreg s18  }
0xf: {  	s21 =	simm.s32 $0xA640;
	s22 =	simm.s32 $0x2D0;
	[dreg:$0x14] =	wrdreg s19  }
0x10: {  	s1 =	sand.u32 $0x1, s1;
	s4 =	sshll.u32 s0, $0x1;
	[dreg:$0x15] =	wrdreg s20  }
0x11: {  	s24 =	simm.s32 $0xBA40;
	s4 =	sor.u32 s1, s4;
	[dreg:$0x16] =	wrdreg s21  }
0x12: {  	s7 =	simm.s32 $0x1A40;
	[dreg:$0x17] =	wrdreg s22;
	s6 =	smul.u32 $0xC8, s4  }
0x13: {  	[dreg:$0x18] =	wrdreg s24;
	s8 =	smul.u32 $0x3200, s4;
	s26 =	sshll.u32 s4, $0x2  }
0x14: {  	[dreg:$0x8] =	wrdreg s7;
	s3 =	sadd.s32 s3, s26;
	s6 =	sadd.s32 s6, s5  }
0x15: {  	s25 =	sadd.s32 s8, s5;
	[dreg:$0x5] =	wrdreg s3;
	s8 =	simm.s32 $0xA0  }
0x16: {  	s4 =	sshll.u32 s4, $0x8;
	s6 =	sadd.s32 $0x6EA00, s6;
	[dreg:$0x9] =	wrdreg s8  }
0x17: {  	s4 =	sadd.s32 s4, s5;
	s0 =	sadd.s32 $0x73E00, s25;
	[dreg:$0x4] =	wrdreg s6  }
0x18: {  	[dreg:$0x6] =	wrdreg s0;
	s6 =	sadd.s32 $0xD7E00, s4  }
0x19: {  	[dreg:$0x7] =	wrdreg s6  }
0x1a: {  	s3 =	simm.s32 $0x2;
	s23 =	rddreg [dreg:$0x4]  }
0x1b: {  	[tilespmem:s2], [sflag:$0x2] =	stream.linear.gather [hbm4b:s23+s2], $0x640, $0x38;
	[tilespmem:$0x19E60] =	vst v63  }
0x1c: {  	_ =	swait.ge [sflag:s3], $0x640  }
0x1d: {  	[sflag:s3] =	ssyncset.done $0x0  }
0x1e: {  	s4 =	simm.s32 $0x19640;
	s25 =	rddreg [dreg:$0x5];
	[sflag:s3] =	ssyncadd.s32 $0xFFFFF9C0  }
0x1f: {  	[tilespmem:s4], [sflag:$0x2] =	stream.linear.gather [hbm4b:s25+s2], $0x20, $0x38;
	[tilespmem:$0x19E60] =	vst v63  }
0x20: {  	_ =	swait.ge [sflag:s3], $0x20  }
0x21: {  	s26 =	rddreg [dreg:$0x18]  }
0x22: {  	s9 =	rddreg [dreg:$0x16]  }
0x23: {  	s10 =	rddreg [dreg:$0x14]  }
0x24: {  	s11 =	rddreg [dreg:$0x12]  }
0x25: {  	s12 =	rddreg [dreg:$0x10]  }
0x26: {  	s7 =	simm.s32 $0x640;
	s13 =	rddreg [dreg:$0xe]  }
0x27: {  	s5 =	sadd.s32 $0x5400, s5;
	s14 =	rddreg [dreg:$0x9];
	[sflag:s3] =	ssyncset.done $0x0  }
0x28: {  	s6 =	simm.s32 $0x50;
	s15 =	rddreg [dreg:$0x8];
	[sflag:s3] =	ssyncadd.s32 $0xFFFFFFE0  }
0x29: {  	[tilespmem:s7], [sflag:$0x1] =	stream.indirect.gather [hbm4b:s5+s6], $0x40, s2, s6, $0xb8;
	[tilespmem:$0x19E60] =	vst v63  }
0x2a: {  	s16 =	rddreg [dreg:$0xa]  }
0x2b: {  	[tilespmem:s15], [sflag:$0x1] =	stream.indirect.gather [hbm4b:s5+s6], $0x40, s6, s6, $0xb8;
	[tilespmem:$0x19E60] =	vst v63  }
0x2c: {  	s17 =	rddreg [dreg:$0xc]  }
0x2d: {  	[tilespmem:s16], [sflag:$0x1] =	stream.indirect.gather [hbm4b:s5+s6], $0x40, s14, s6, $0xb8;
	[tilespmem:$0x19E60] =	vst v63  }
0x2e: {  	s0 =	rddreg [dreg:$0xb]  }
0x2f: {  	[tilespmem:s17], [sflag:$0x1] =	stream.indirect.gather [hbm4b:s5+s6], $0x40, s0, s6, $0xb8;
	[tilespmem:$0x19E60] =	vst v63  }
0x30: {  	s16 =	rddreg [dreg:$0xd]  }
0x31: {  	[tilespmem:s13], [sflag:$0x1] =	stream.indirect.gather [hbm4b:s5+s6], $0x40, s16, s6, $0xb8;
	[tilespmem:$0x19E60] =	vst v63  }
0x32: {  	s18 =	rddreg [dreg:$0xf]  }
0x33: {  	[tilespmem:s12], [sflag:$0x1] =	stream.indirect.gather [hbm4b:s5+s6], $0x40, s18, s6, $0xb8;
	[tilespmem:$0x19E60] =	vst v63  }
0x34: {  	s19 =	rddreg [dreg:$0x11]  }
0x35: {  	[tilespmem:s11], [sflag:$0x1] =	stream.indirect.gather [hbm4b:s5+s6], $0x40, s19, s6, $0xb8;
	[tilespmem:$0x19E60] =	vst v63  }
0x36: {  	s20 =	rddreg [dreg:$0x13]  }
0x37: {  	[tilespmem:s10], [sflag:$0x1] =	stream.indirect.gather [hbm4b:s5+s6], $0x40, s20, s6, $0xb8;
	[tilespmem:$0x19E60] =	vst v63  }
0x38: {  	s21 =	rddreg [dreg:$0x15]  }
0x39: {  	[tilespmem:s9], [sflag:$0x1] =	stream.indirect.gather [hbm4b:s5+s6], $0x40, s21, s6, $0xb8;
	[tilespmem:$0x19E60] =	vst v63  }
0x3a: {  	s22 =	rddreg [dreg:$0x17]  }
0x3b: {  	[tilespmem:s26], [sflag:$0x1] =	stream.indirect.gather [hbm4b:s5+s6], $0x40, s22, s6, $0xb8;
	[tilespmem:$0x19E60] =	vst v63  }
0x3c: {  	s24 =	simm.s32 $0xCE40;
	s23 =	simm.s32 $0x320  }
0x3d: {  	[tilespmem:s24], [sflag:$0x1] =	stream.indirect.gather [hbm4b:s5+s6], $0x40, s23, s6, $0xb8;
	[tilespmem:$0x19E60] =	vst v63  }
0x3e: {  	s25 =	simm.s32 $0x370;
	s26 =	simm.s32 $0xE240  }
0x3f: {  	[tilespmem:s26], [sflag:$0x1] =	stream.indirect.gather [hbm4b:s5+s6], $0x40, s25, s6, $0xb8;
	[tilespmem:$0x19E60] =	vst v63  }
0x40: {  	s10 =	simm.s32 $0xF640;
	s9 =	simm.s32 $0x3C0  }
0x41: {  	[tilespmem:s10], [sflag:$0x1] =	stream.indirect.gather [hbm4b:s5+s6], $0x40, s9, s6, $0xb8;
	[tilespmem:$0x19E60] =	vst v63  }
0x42: {  	s12 =	simm.s32 $0x10A40;
	s11 =	simm.s32 $0x410  }
0x43: {  	[tilespmem:s12], [sflag:$0x1] =	stream.indirect.gather [hbm4b:s5+s6], $0x40, s11, s6, $0xb8;
	[tilespmem:$0x19E60] =	vst v63  }
0x44: {  	s14 =	simm.s32 $0x11E40;
	s13 =	simm.s32 $0x460  }
0x45: {  	[tilespmem:s14], [sflag:$0x1] =	stream.indirect.gather [hbm4b:s5+s6], $0x40, s13, s6, $0xb8;
	[tilespmem:$0x19E60] =	vst v63  }
0x46: {  	s18 =	simm.s32 $0x4B0;
	s19 =	simm.s32 $0x13240  }
0x47: {  	[tilespmem:s19], [sflag:$0x1] =	stream.indirect.gather [hbm4b:s5+s6], $0x40, s18, s6, $0xb8;
	[tilespmem:$0x19E60] =	vst v63  }
0x48: {  	s20 =	simm.s32 $0x500;
	s21 =	simm.s32 $0x14640  }
0x49: {  	[tilespmem:s21], [sflag:$0x1] =	stream.indirect.gather [hbm4b:s5+s6], $0x40, s20, s6, $0xb8;
	[tilespmem:$0x19E60] =	vst v63  }
0x4a: {  	s22 =	simm.s32 $0x550;
	s23 =	simm.s32 $0x15A40  }
0x4b: {  	[tilespmem:s23], [sflag:$0x1] =	stream.indirect.gather [hbm4b:s5+s6], $0x40, s22, s6, $0xb8;
	[tilespmem:$0x19E60] =	vst v63  }
0x4c: {  	s24 =	simm.s32 $0x5A0;
	s25 =	simm.s32 $0x16E40  }
0x4d: {  	[tilespmem:s25], [sflag:$0x1] =	stream.indirect.gather [hbm4b:s5+s6], $0x40, s24, s6, $0xb8;
	[tilespmem:$0x19E60] =	vst v63  }
0x4e: {  	s28 =	simm.s32 $0x5F0;
	s29 =	simm.s32 $0x18240  }
0x4f: {  	[tilespmem:s29], [sflag:$0x1] =	stream.indirect.gather [hbm4b:s5+s6], $0x40, s28, s6, $0xb8;
	[tilespmem:$0x19E60] =	vst v63  }
0x50: {  	s30 =	simm.s32 $0x20;
	s31 =	rddreg [dreg:$0x3];
	s26 =	simm.s32 $0x19660  }
0x51: {  	[tilespmem:s26], [sflag:$0x1] =	stream.indirect.gather [hbm4b:s31+s30], $0x40, s4, s30, $0xb8;
	[tilespmem:$0x19E60] =	vst v63  }
0x52: {  	s31 =	simm.s32 $0x1  }
0x53: {  	_ =	swait.ge [sflag:s31], $0x1400  }
0x54: {  	[sflag:s31] =	ssyncset.done $0x0  }
0x55: {  	[sflag:s31] =	ssyncadd.s32 $0xFFFFEC00  }
0x56: {  	_ =	swait.ge [sflag:s31], $0x1400  }
0x57: {  	[sflag:s31] =	ssyncset.done $0x0  }
0x58: {  	[sflag:s31] =	ssyncadd.s32 $0xFFFFEC00  }
0x59: {  	_ =	swait.ge [sflag:s31], $0x1400  }
0x5a: {  	[sflag:s31] =	ssyncset.done $0x0  }
0x5b: {  	[sflag:s31] =	ssyncadd.s32 $0xFFFFEC00  }
0x5c: {  	_ =	swait.ge [sflag:s31], $0x1400  }
0x5d: {  	[sflag:s31] =	ssyncset.done $0x0  }
0x5e: {  	[sflag:s31] =	ssyncadd.s32 $0xFFFFEC00  }
0x5f: {  	_ =	swait.ge [sflag:s31], $0x1400  }
0x60: {  	[sflag:s31] =	ssyncset.done $0x0  }
0x61: {  	[sflag:s31] =	ssyncadd.s32 $0xFFFFEC00  }
0x62: {  	_ =	swait.ge [sflag:s31], $0x1400  }
0x63: {  	[sflag:s31] =	ssyncset.done $0x0  }
0x64: {  	[sflag:s31] =	ssyncadd.s32 $0xFFFFEC00  }
0x65: {  	_ =	swait.ge [sflag:s31], $0x1400  }
0x66: {  	[sflag:s31] =	ssyncset.done $0x0  }
0x67: {  	[sflag:s31] =	ssyncadd.s32 $0xFFFFEC00  }
0x68: {  	_ =	swait.ge [sflag:s31], $0x1400  }
0x69: {  	[sflag:s31] =	ssyncset.done $0x0  }
0x6a: {  	[sflag:s31] =	ssyncadd.s32 $0xFFFFEC00  }
0x6b: {  	_ =	swait.ge [sflag:s31], $0x1400  }
0x6c: {  	[sflag:s31] =	ssyncset.done $0x0  }
0x6d: {  	[sflag:s31] =	ssyncadd.s32 $0xFFFFEC00  }
0x6e: {  	_ =	swait.ge [sflag:s31], $0x1400  }
0x6f: {  	[sflag:s31] =	ssyncset.done $0x0  }
0x70: {  	[sflag:s31] =	ssyncadd.s32 $0xFFFFEC00  }
0x71: {  	_ =	swait.ge [sflag:s31], $0x1400  }
0x72: {  	[sflag:s31] =	ssyncset.done $0x0  }
0x73: {  	[sflag:s31] =	ssyncadd.s32 $0xFFFFEC00  }
0x74: {  	_ =	swait.ge [sflag:s31], $0x1400  }
0x75: {  	[sflag:s31] =	ssyncset.done $0x0  }
0x76: {  	[sflag:s31] =	ssyncadd.s32 $0xFFFFEC00  }
0x77: {  	_ =	swait.ge [sflag:s31], $0x1400  }
0x78: {  	[sflag:s31] =	ssyncset.done $0x0  }
0x79: {  	[sflag:s31] =	ssyncadd.s32 $0xFFFFEC00  }
0x7a: {  	_ =	swait.ge [sflag:s31], $0x1400  }
0x7b: {  	[sflag:s31] =	ssyncset.done $0x0  }
0x7c: {  	[sflag:s31] =	ssyncadd.s32 $0xFFFFEC00  }
0x7d: {  	_ =	swait.ge [sflag:s31], $0x1400  }
0x7e: {  	[sflag:s31] =	ssyncset.done $0x0  }
0x7f: {  	[sflag:s31] =	ssyncadd.s32 $0xFFFFEC00  }
0x80: {  	_ =	swait.ge [sflag:s31], $0x1400  }
0x81: {  	[sflag:s31] =	ssyncset.done $0x0  }
0x82: {  	[sflag:s31] =	ssyncadd.s32 $0xFFFFEC00  }
0x83: {  	_ =	swait.ge [sflag:s31], $0x1400  }
0x84: {  	[sflag:s31] =	ssyncset.done $0x0  }
0x85: {  	[sflag:s31] =	ssyncadd.s32 $0xFFFFEC00  }
0x86: {  	_ =	swait.ge [sflag:s31], $0x1400  }
0x87: {  	[sflag:s31] =	ssyncset.done $0x0  }
0x88: {  	[sflag:s31] =	ssyncadd.s32 $0xFFFFEC00  }
0x89: {  	s1 =	ssub.s32 $0x2, s1;
	_ =	swait.ge [sflag:s31], $0x1400  }
0x8a: {  	s16 =	sshrl.u32 s1, $0x1;
	[sflag:s31] =	ssyncset.done $0x0  }
0x8b: {  	s0 =	ssub.s32 s1, s16;
	[sflag:s31] =	ssyncadd.s32 $0xFFFFEC00  }
0x8c: {  	s0 =	smax.u32 s0, $0x1;
	_ =	swait.ge [sflag:s31], $0x1400  }
0x8d: {  	p0 =	sne.s32 s0, $0x1;
	[sflag:s31] =	ssyncset.done $0x0  }
.Ltmp0:
0x8e: {  	[sflag:s31] =	ssyncadd.s32 $0xFFFFEC00;
	(pc) =	sbr.rel @!p0 .LBB2_2-.Ltmp0, $4  }
0x8f: {  	_ =	swait.ge [sflag:s31], $0x800  }
0x90: {  	s17 =	simm.s32 $0x11E40;
	[sflag:s31] =	ssyncset.done $0x0  }
0x91: {  	s1 =	sadd.s32 $0xFFFFFFFF, s0;
	s15 =	rddreg [dreg:$0x6];
	[sflag:s31] =	ssyncadd.s32 $0xFFFFF800  }
0x92: {  	[hbm4b:s15+s2] =	stream.linear.scatter [tilespmem:s7], [sflag:$0x2], $0x19000, $0x38;
	[tilespmem:$0x19E60] =	vst v63  }
.LBB2_1:
0x93: {  	_ =	swait.ge [sflag:s3], $0x19000  }
0x94: {  	[sflag:s3] =	ssyncset.done $0x0  }
0x95: {  	s0 =	rddreg [dreg:$0x7];
	[sflag:s3] =	ssyncadd.s32 $0xFFFE7000  }
0x96: {  	[hbm4b:s0+s2] =	stream.linear.scatter [tilespmem:s26], [sflag:$0x2], $0x800, $0x38;
	[tilespmem:$0x19E60] =	vst v63  }
0x97: {  	_ =	swait.ge [sflag:s3], $0x800  }
0x98: {  	[sflag:s3] =	ssyncset.done $0x0  }
0x99: {  	s13 =	rddreg [dreg:$0x4];
	[sflag:s3] =	ssyncadd.s32 $0xFFFFF800  }
0x9a: {  	[tilespmem:s2], [sflag:$0x2] =	stream.linear.gather [hbm4b:s13+s2], $0x640, $0x38;
	[tilespmem:$0x19E60] =	vst v63  }
0x9b: {  	_ =	swait.ge [sflag:s3], $0x640  }
0x9c: {  	[sflag:s3] =	ssyncset.done $0x0  }
0x9d: {  	s14 =	rddreg [dreg:$0x5];
	[sflag:s3] =	ssyncadd.s32 $0xFFFFF9C0  }
0x9e: {  	[tilespmem:s4], [sflag:$0x2] =	stream.linear.gather [hbm4b:s14+s2], $0x20, $0x38;
	[tilespmem:$0x19E60] =	vst v63  }
0x9f: {  	_ =	swait.ge [sflag:s3], $0x20  }
0xa0: {  	s0 =	rddreg [dreg:$0x18]  }
0xa1: {  	s8 =	rddreg [dreg:$0x16]  }
0xa2: {  	s9 =	rddreg [dreg:$0x14]  }
0xa3: {  	s10 =	rddreg [dreg:$0x12]  }
0xa4: {  	s11 =	rddreg [dreg:$0x10]  }
0xa5: {  	s12 =	rddreg [dreg:$0xe]  }
0xa6: {  	[sflag:s3] =	ssyncset.done $0x0;
	s13 =	rddreg [dreg:$0x9]  }
0xa7: {  	s14 =	rddreg [dreg:$0x8];
	[sflag:s3] =	ssyncadd.s32 $0xFFFFFFE0  }
0xa8: {  	[tilespmem:s7], [sflag:$0x1] =	stream.indirect.gather [hbm4b:s5+s6], $0x40, s2, s6, $0xb8;
	[tilespmem:$0x19E60] =	vst v63  }
0xa9: {  	s15 =	rddreg [dreg:$0xa]  }
0xaa: {  	[tilespmem:s14], [sflag:$0x1] =	stream.indirect.gather [hbm4b:s5+s6], $0x40, s6, s6, $0xb8;
	[tilespmem:$0x19E60] =	vst v63  }
0xab: {  	s16 =	rddreg [dreg:$0xc]  }
0xac: {  	[tilespmem:s15], [sflag:$0x1] =	stream.indirect.gather [hbm4b:s5+s6], $0x40, s13, s6, $0xb8;
	[tilespmem:$0x19E60] =	vst v63  }
0xad: {  	s14 =	rddreg [dreg:$0xb]  }
0xae: {  	[tilespmem:s16], [sflag:$0x1] =	stream.indirect.gather [hbm4b:s5+s6], $0x40, s14, s6, $0xb8;
	[tilespmem:$0x19E60] =	vst v63  }
0xaf: {  	s15 =	rddreg [dreg:$0xd]  }
0xb0: {  	[tilespmem:s12], [sflag:$0x1] =	stream.indirect.gather [hbm4b:s5+s6], $0x40, s15, s6, $0xb8;
	[tilespmem:$0x19E60] =	vst v63  }
0xb1: {  	s16 =	rddreg [dreg:$0xf]  }
0xb2: {  	[tilespmem:s11], [sflag:$0x1] =	stream.indirect.gather [hbm4b:s5+s6], $0x40, s16, s6, $0xb8;
	[tilespmem:$0x19E60] =	vst v63  }
0xb3: {  	s15 =	rddreg [dreg:$0x11]  }
0xb4: {  	[tilespmem:s10], [sflag:$0x1] =	stream.indirect.gather [hbm4b:s5+s6], $0x40, s15, s6, $0xb8;
	[tilespmem:$0x19E60] =	vst v63  }
0xb5: {  	s16 =	rddreg [dreg:$0x13]  }
0xb6: {  	[tilespmem:s9], [sflag:$0x1] =	stream.indirect.gather [hbm4b:s5+s6], $0x40, s16, s6, $0xb8;
	[tilespmem:$0x19E60] =	vst v63  }
0xb7: {  	s13 =	rddreg [dreg:$0x15]  }
0xb8: {  	[tilespmem:s8], [sflag:$0x1] =	stream.indirect.gather [hbm4b:s5+s6], $0x40, s13, s6, $0xb8;
	[tilespmem:$0x19E60] =	vst v63  }
0xb9: {  	s14 =	rddreg [dreg:$0x17]  }
0xba: {  	[tilespmem:s0], [sflag:$0x1] =	stream.indirect.gather [hbm4b:s5+s6], $0x40, s14, s6, $0xb8;
	[tilespmem:$0x19E60] =	vst v63  }
0xbb: {  	s15 =	simm.s32 $0x320;
	s16 =	simm.s32 $0xCE40  }
0xbc: {  	[tilespmem:s16], [sflag:$0x1] =	stream.indirect.gather [hbm4b:s5+s6], $0x40, s15, s6, $0xb8;
	[tilespmem:$0x19E60] =	vst v63  }
0xbd: {  	s9 =	simm.s32 $0xE240;
	s8 =	simm.s32 $0x370  }
0xbe: {  	[tilespmem:s9], [sflag:$0x1] =	stream.indirect.gather [hbm4b:s5+s6], $0x40, s8, s6, $0xb8;
	[tilespmem:$0x19E60] =	vst v63  }
0xbf: {  	s11 =	simm.s32 $0xF640;
	s10 =	simm.s32 $0x3C0  }
0xc0: {  	[tilespmem:s11], [sflag:$0x1] =	stream.indirect.gather [hbm4b:s5+s6], $0x40, s10, s6, $0xb8;
	[tilespmem:$0x19E60] =	vst v63  }
0xc1: {  	s12 =	simm.s32 $0x410;
	s13 =	simm.s32 $0x10A40  }
0xc2: {  	[tilespmem:s13], [sflag:$0x1] =	stream.indirect.gather [hbm4b:s5+s6], $0x40, s12, s6, $0xb8;
	[tilespmem:$0x19E60] =	vst v63  }
0xc3: {  	s14 =	simm.s32 $0x460  }
0xc4: {  	[tilespmem:s17], [sflag:$0x1] =	stream.indirect.gather [hbm4b:s5+s6], $0x40, s14, s6, $0xb8;
	[tilespmem:$0x19E60] =	vst v63  }
0xc5: {  	_ = 	snop  }
0xc6: {  	[tilespmem:s19], [sflag:$0x1] =	stream.indirect.gather [hbm4b:s5+s6], $0x40, s18, s6, $0xb8;
	[tilespmem:$0x19E60] =	vst v63  }
0xc7: {  	_ = 	snop  }
0xc8: {  	[tilespmem:s21], [sflag:$0x1] =	stream.indirect.gather [hbm4b:s5+s6], $0x40, s20, s6, $0xb8;
	[tilespmem:$0x19E60] =	vst v63  }
0xc9: {  	_ = 	snop  }
0xca: {  	[tilespmem:s23], [sflag:$0x1] =	stream.indirect.gather [hbm4b:s5+s6], $0x40, s22, s6, $0xb8;
	[tilespmem:$0x19E60] =	vst v63  }
0xcb: {  	_ = 	snop  }
0xcc: {  	[tilespmem:s25], [sflag:$0x1] =	stream.indirect.gather [hbm4b:s5+s6], $0x40, s24, s6, $0xb8;
	[tilespmem:$0x19E60] =	vst v63  }
0xcd: {  	_ = 	snop  }
0xce: {  	[tilespmem:s29], [sflag:$0x1] =	stream.indirect.gather [hbm4b:s5+s6], $0x40, s28, s6, $0xb8;
	[tilespmem:$0x19E60] =	vst v63  }
0xcf: {  	s15 =	rddreg [dreg:$0x3]  }
0xd0: {  	[tilespmem:s26], [sflag:$0x1] =	stream.indirect.gather [hbm4b:s15+s30], $0x40, s4, s30, $0xb8;
	[tilespmem:$0x19E60] =	vst v63  }
0xd1: {  	_ =	swait.ge [sflag:s31], $0x1400  }
0xd2: {  	[sflag:s31] =	ssyncset.done $0x0  }
0xd3: {  	[sflag:s31] =	ssyncadd.s32 $0xFFFFEC00  }
0xd4: {  	_ =	swait.ge [sflag:s31], $0x1400  }
0xd5: {  	[sflag:s31] =	ssyncset.done $0x0  }
0xd6: {  	[sflag:s31] =	ssyncadd.s32 $0xFFFFEC00  }
0xd7: {  	_ =	swait.ge [sflag:s31], $0x1400  }
0xd8: {  	[sflag:s31] =	ssyncset.done $0x0  }
0xd9: {  	[sflag:s31] =	ssyncadd.s32 $0xFFFFEC00  }
0xda: {  	_ =	swait.ge [sflag:s31], $0x1400  }
0xdb: {  	[sflag:s31] =	ssyncset.done $0x0  }
0xdc: {  	[sflag:s31] =	ssyncadd.s32 $0xFFFFEC00  }
0xdd: {  	_ =	swait.ge [sflag:s31], $0x1400  }
0xde: {  	[sflag:s31] =	ssyncset.done $0x0  }
0xdf: {  	[sflag:s31] =	ssyncadd.s32 $0xFFFFEC00  }
0xe0: {  	_ =	swait.ge [sflag:s31], $0x1400  }
0xe1: {  	[sflag:s31] =	ssyncset.done $0x0  }
0xe2: {  	[sflag:s31] =	ssyncadd.s32 $0xFFFFEC00  }
0xe3: {  	_ =	swait.ge [sflag:s31], $0x1400  }
0xe4: {  	[sflag:s31] =	ssyncset.done $0x0  }
0xe5: {  	[sflag:s31] =	ssyncadd.s32 $0xFFFFEC00  }
0xe6: {  	_ =	swait.ge [sflag:s31], $0x1400  }
0xe7: {  	[sflag:s31] =	ssyncset.done $0x0  }
0xe8: {  	[sflag:s31] =	ssyncadd.s32 $0xFFFFEC00  }
0xe9: {  	_ =	swait.ge [sflag:s31], $0x1400  }
0xea: {  	[sflag:s31] =	ssyncset.done $0x0  }
0xeb: {  	[sflag:s31] =	ssyncadd.s32 $0xFFFFEC00  }
0xec: {  	_ =	swait.ge [sflag:s31], $0x1400  }
0xed: {  	[sflag:s31] =	ssyncset.done $0x0  }
0xee: {  	[sflag:s31] =	ssyncadd.s32 $0xFFFFEC00  }
0xef: {  	_ =	swait.ge [sflag:s31], $0x1400  }
0xf0: {  	[sflag:s31] =	ssyncset.done $0x0  }
0xf1: {  	[sflag:s31] =	ssyncadd.s32 $0xFFFFEC00  }
0xf2: {  	_ =	swait.ge [sflag:s31], $0x1400  }
0xf3: {  	[sflag:s31] =	ssyncset.done $0x0  }
0xf4: {  	[sflag:s31] =	ssyncadd.s32 $0xFFFFEC00  }
0xf5: {  	_ =	swait.ge [sflag:s31], $0x1400  }
0xf6: {  	[sflag:s31] =	ssyncset.done $0x0  }
0xf7: {  	[sflag:s31] =	ssyncadd.s32 $0xFFFFEC00  }
0xf8: {  	_ =	swait.ge [sflag:s31], $0x1400  }
0xf9: {  	[sflag:s31] =	ssyncset.done $0x0  }
0xfa: {  	[sflag:s31] =	ssyncadd.s32 $0xFFFFEC00  }
0xfb: {  	_ =	swait.ge [sflag:s31], $0x1400  }
0xfc: {  	[sflag:s31] =	ssyncset.done $0x0  }
0xfd: {  	[sflag:s31] =	ssyncadd.s32 $0xFFFFEC00  }
0xfe: {  	_ =	swait.ge [sflag:s31], $0x1400  }
0xff: {  	[sflag:s31] =	ssyncset.done $0x0  }
0x100: {  	[sflag:s31] =	ssyncadd.s32 $0xFFFFEC00  }
0x101: {  	_ =	swait.ge [sflag:s31], $0x1400  }
0x102: {  	[sflag:s31] =	ssyncset.done $0x0  }
0x103: {  	[sflag:s31] =	ssyncadd.s32 $0xFFFFEC00  }
0x104: {  	_ =	swait.ge [sflag:s31], $0x1400  }
0x105: {  	[sflag:s31] =	ssyncset.done $0x0  }
0x106: {  	[sflag:s31] =	ssyncadd.s32 $0xFFFFEC00  }
0x107: {  	_ =	swait.ge [sflag:s31], $0x1400  }
0x108: {  	[sflag:s31] =	ssyncset.done $0x0  }
0x109: {  	[sflag:s31] =	ssyncadd.s32 $0xFFFFEC00  }
0x10a: {  	_ =	swait.ge [sflag:s31], $0x1400  }
0x10b: {  	p0 =	sne.s32 s1, $0x1;
	[sflag:s31] =	ssyncset.done $0x0  }
.Ltmp1:
0x10c: {  	[sflag:s31] =	ssyncadd.s32 $0xFFFFEC00;
	(pc) =	sbr.rel @p0 .LBB2_1-.Ltmp1, $4  }
0x10d: {  	_ =	swait.ge [sflag:s31], $0x800  }
0x10e: {  	[sflag:s31] =	ssyncset.done $0x0  }
0x10f: {  	s1 =	sadd.s32 $0xFFFFFFFF, s1;
	s16 =	rddreg [dreg:$0x6];
	[sflag:s31] =	ssyncadd.s32 $0xFFFFF800  }
0x110: {  	[hbm4b:s16+s2] =	stream.linear.scatter [tilespmem:s7], [sflag:$0x2], $0x19000, $0x38;
	[tilespmem:$0x19E60] =	vst v63  }
.LBB2_2:
0x111: {  	_ =	swait.ge [sflag:s3], $0x19000  }
0x112: {  	[sflag:s3] =	ssyncset.done $0x0  }
0x113: {  	s0 =	rddreg [dreg:$0x7];
	[sflag:s3] =	ssyncadd.s32 $0xFFFE7000  }
0x114: {  	[hbm4b:s0+s2] =	stream.linear.scatter [tilespmem:s26], [sflag:$0x2], $0x800, $0x38;
	[tilespmem:$0x19E60] =	vst v63  }
0x115: {  	_ =	swait.ge [sflag:s3], $0x800  }
0x116: {  	[sflag:s3] =	ssyncset.done $0x0  }
0x117: {  	[sflag:s3] =	ssyncadd.s32 $0xFFFFF800  }
0x118: {  	_ =	sfence.sel $0x180000  }
0x119: {  	[bflag:$0x0] =	sbarrier.arrive $0xFFFF  }
0x11a: {  	_ =	strace $0x90000047  }
0x11b: {  	s31 =	stileid.u32;
	[bflag:$0x2] =	sbarrier.arrive $0xFFFF  }
0x11c: {  	p0 =	sne.s32 s31, $0x0;
	s0 =	rddreg [dreg:$0x2]  }
0x11d: {  	s0 =	sadd.s32 @!p0 $0x100000, s0  }
0x11e: {  	[sflag:s0] =	ssyncadd.tile.s32 @!p0 $0x1;
	_ =	shalt  }
.Lfunc_end2:
_tile_overlayer_lowered:
.L_overlay_start_2:
0x11f: {  	(tag) =	ssettag $0x2  }
0x120: {  	s0 =	rddreg [dreg:$0x0];
	s2 =	stileid.u32  }
0x121: {  	s1 =	rddreg [dreg:$0x1];
	p0 =	sne.s32 s2, $0x0  }
0x122: {  	s3 =	rddreg [dreg:$0x2];
	[bflag:$0x3] =	sbarrier.arrive $0xFFFF;
	s2 =	simm.s32 @!p0 $0x1C02  }
0x123: {  	[timem:s3], [sflag:s2] =	dma.local @!p0 [hbm:s0], s1  }
0x124: {  	s0 =	simm.s32 @!p0 $0x2  }
0x125: {  	_ =	swait.ge @!p0 [sflag:s0], s1  }
0x126: {  	s1 =	ssub.s32 @!p0 $0x0, s1;
	[sflag:s0] =	ssyncset.done @!p0 $0x0  }
0x127: {  	[sflag:s0] =	ssyncadd.s32 @!p0 s1  }
0x128: {  	[bflag:$0x3] =	sbarrier.arrive $0xFFFF  }
0x129: {  	_ =	shalt  }

</sc_bundles>
